<compile_context>
chip_gen: v7x
topology: tpu7x:2x2x1
jax: 0.10.2.dev20260603
libtpu: 0.0.44.dev20260713+nightly
codegen_flags: <defaults>
</compile_context>

<pallas_src>
import functools

import jax
import jax.numpy as jnp
from jax import lax
from jax.experimental import pallas as pl
from jax.experimental.pallas import tpu as pltpu
from jax.experimental.pallas import tpu_sc as plsc

EMBED = 1024
CHUNK = 80
PCHUNK = 80



def _dense_body(x0_ref, word_ref, wih_ref, bih_ref, bhh_ref, len_ref,
                obj_ref, linw_ref, linb_ref, rel_ref,
                cap_ref, proj_ref, pair_ref, xe_s, csem):
    b = cap_ref.shape[0]

    def cp(i, carry):
        pltpu.make_async_copy(word_ref.at[pl.ds(x0_ref[i], 1), :],
                              xe_s.at[pl.ds(i, 1), :], csem).start()
        return carry

    lax.fori_loop(0, b, cp, 0)

    def wt(i, carry):
        pltpu.make_async_copy(word_ref.at[pl.ds(x0_ref[i], 1), :],
                              xe_s.at[pl.ds(i, 1), :], csem).wait()
        return carry

    lax.fori_loop(0, b, wt, 0)
    gi = lax.dot_general(xe_s[...], wih_ref[...], (((1,), (1,)), ((), ())),
                         preferred_element_type=jnp.float32) + bih_ref[...]
    bhh = bhh_ref[...]
    i_r = gi[:, :EMBED]
    i_z = gi[:, EMBED:2 * EMBED]
    i_n = gi[:, 2 * EMBED:]
    h_r = bhh[:, :EMBED]
    h_z = bhh[:, EMBED:2 * EMBED]
    h_n = bhh[:, 2 * EMBED:]
    r = jax.nn.sigmoid(i_r + h_r)
    z = jax.nn.sigmoid(i_z + h_z)
    n = jnp.tanh(i_n + r * h_n)
    h_new = (1.0 - z) * n
    mask = 0 < len_ref[...]
    out = jnp.where(mask, h_new, 0.0)
    norm = jnp.sqrt(jnp.sum(out * out, axis=1, keepdims=True)) + 1e-8
    cap_ref[...] = out / norm
    proj_ref[...] = lax.dot_general(obj_ref[...], linw_ref[...],
                                    (((1,), (1,)), ((), ())),
                                    preferred_element_type=jnp.float32) \
        + linb_ref[...]
    rel = rel_ref[...]
    nv, dp = rel.shape
    pair_ref[...] = jnp.concatenate(
        [jnp.broadcast_to(rel[:, None, :], (nv, nv, dp)),
         jnp.broadcast_to(rel[None, :, :], (nv, nv, dp)),
         jnp.zeros((nv, nv, 8), jnp.float32)], axis=2)


def _dense_tc(x0, word_embed, W_ih, b_ih, b_hh, lengths, obj_embed,
              lin_W, lin_b, rel_embed):
    b = x0.shape[0]
    d = word_embed.shape[1]
    nobj = obj_embed.shape[0]
    gconv = lin_W.shape[0]
    nv, dp = rel_embed.shape
    return pl.pallas_call(
        _dense_body,
        in_specs=[pl.BlockSpec(memory_space=pltpu.SMEM),
                  pl.BlockSpec(memory_space=pl.ANY)]
        + [pl.BlockSpec(memory_space=pltpu.VMEM)] * 8,
        out_shape=(jax.ShapeDtypeStruct((b, EMBED), jnp.float32),
                   jax.ShapeDtypeStruct((nobj, gconv), jnp.float32),
                   jax.ShapeDtypeStruct((nv, nv, 2 * dp + 8), jnp.float32)),
        scratch_shapes=[pltpu.VMEM((b, d), jnp.float32),
                        pltpu.SemaphoreType.DMA],
    )(x0, word_embed, W_ih, b_ih.reshape(1, -1), b_hh.reshape(1, -1),
      lengths.reshape(b, 1), obj_embed, lin_W, lin_b.reshape(1, -1), rel_embed)



def _sc_pred(p_idx, pair_table, nv, dp):
    e2 = p_idx.shape[0] // 2
    dpair = 2 * dp
    dpad = pair_table.shape[1]
    info = plsc.get_sparse_core_info()
    nw = info.num_cores * info.num_subcores
    n_pred_chunks = e2 // PCHUNK
    pred_iters = -(-n_pred_chunks // nw)
    mesh = plsc.VectorSubcoreMesh(core_axis_name="c", subcore_axis_name="s")
    pred_pair_iters = -(-pred_iters // 2)

    @functools.partial(
        pl.kernel, mesh=mesh,
        compiler_params=pltpu.CompilerParams(use_tc_tiling_on_sc=False,
                                             needs_layout_passes=False),
        out_type=jax.ShapeDtypeStruct((e2, dpair), jnp.float32),
        scratch_types=[
            pltpu.VMEM((2 * PCHUNK,), jnp.int32),
            pltpu.VMEM((PCHUNK,), jnp.int32),
            pltpu.VMEM((PCHUNK, dpad), jnp.float32),
            pltpu.VMEM((PCHUNK, dpad), jnp.float32),
            pltpu.SemaphoreType.DMA,
            pltpu.SemaphoreType.DMA,
            pltpu.SemaphoreType.DMA,
        ],
    )
    def k(pidx_hbm, pair_hbm, pred_out,
          p1d_v, pidx_v, prow0, prow1, gsem, wsem0, wsem1):
        wid = lax.axis_index("s") * info.num_cores + lax.axis_index("c")
        iot = lax.iota(jnp.int32, 16)

        def pred_sub(it2, bsel, rbuf, wsem):
            chunk = (it2 * 2 + bsel) * nw + wid

            @pl.when(chunk < n_pred_chunks)
            def _():
                base = chunk * PCHUNK
                pltpu.sync_copy(pidx_hbm.at[pl.ds(2 * base, 2 * PCHUNK)],
                                p1d_v)
                for g in range(PCHUNK // 16):
                    rows = (g * 16 + iot) * 2
                    ev = plsc.load_gather(p1d_v, [rows])
                    od = plsc.load_gather(p1d_v, [rows + 1])
                    pidx_v[pl.ds(g * 16, 16)] = ev * nv + od

                @pl.when(it2 > 0)
                def _drain():
                    pltpu.make_async_copy(rbuf.at[:, pl.ds(0, dpair)],
                                          pred_out.at[pl.ds(base, PCHUNK)],
                                          wsem).wait()
                pltpu.async_copy(pair_hbm.at[pidx_v], rbuf, gsem).wait()
                pltpu.async_copy(rbuf.at[:, pl.ds(0, dpair)],
                                 pred_out.at[pl.ds(base, PCHUNK)], wsem)

        def pred_body(it2, carry):
            pred_sub(it2, 0, prow0, wsem0)
            pred_sub(it2, 1, prow1, wsem1)
            return carry

        lax.fori_loop(0, pred_pair_iters, pred_body, 0)
        pltpu.make_async_copy(prow0.at[:, pl.ds(0, dpair)],
                              pred_out.at[pl.ds(0, PCHUNK)], wsem0).wait()
        pltpu.make_async_copy(prow1.at[:, pl.ds(0, dpair)],
                              pred_out.at[pl.ds(0, PCHUNK)], wsem1).wait()

    return k(p_idx, pair_table)


def _sc_obj(obj_idx, proj):
    o = obj_idx.shape[0]
    do = proj.shape[1]
    info = plsc.get_sparse_core_info()
    nw = info.num_cores * info.num_subcores
    n_obj_chunks = o // CHUNK
    obj_iters = -(-n_obj_chunks // nw)
    mesh = plsc.VectorSubcoreMesh(core_axis_name="c", subcore_axis_name="s")
    obj_pair_iters = -(-obj_iters // 2)

    @functools.partial(
        pl.kernel, mesh=mesh,
        compiler_params=pltpu.CompilerParams(use_tc_tiling_on_sc=False,
                                             needs_layout_passes=False),
        out_type=jax.ShapeDtypeStruct((o, do), jnp.float32),
        scratch_types=[
            pltpu.VMEM((CHUNK,), jnp.int32),
            pltpu.VMEM((CHUNK, do), jnp.float32),
            pltpu.VMEM((CHUNK, do), jnp.float32),
            pltpu.SemaphoreType.DMA,
            pltpu.SemaphoreType.DMA,
            pltpu.SemaphoreType.DMA,
        ],
    )
    def kobj(oidx_hbm, proj_hbm, obj_out,
             oidx_v, orow0, orow1, gsem, wsem0, wsem1):
        wid = lax.axis_index("s") * info.num_cores + lax.axis_index("c")

        def obj_sub(it2, bsel, rbuf, wsem):
            chunk = (it2 * 2 + bsel) * nw + wid

            @pl.when(chunk < n_obj_chunks)
            def _():
                base = chunk * CHUNK
                pltpu.sync_copy(oidx_hbm.at[pl.ds(base, CHUNK)], oidx_v)

                @pl.when(it2 > 0)
                def _drain():
                    pltpu.make_async_copy(rbuf,
                                          obj_out.at[pl.ds(base, CHUNK)],
                                          wsem).wait()
                pltpu.async_copy(proj_hbm.at[oidx_v], rbuf, gsem).wait()
                pltpu.async_copy(rbuf, obj_out.at[pl.ds(base, CHUNK)], wsem)

        def obj_body(it2, carry):
            obj_sub(it2, 0, orow0, wsem0)
            obj_sub(it2, 1, orow1, wsem1)
            return carry

        lax.fori_loop(0, obj_pair_iters, obj_body, 0)
        pltpu.make_async_copy(orow0, obj_out.at[pl.ds(0, CHUNK)], wsem0).wait()
        pltpu.make_async_copy(orow1, obj_out.at[pl.ds(0, CHUNK)], wsem1).wait()

    return kobj(obj_idx, proj)



def _untile_body(in_ref, out_ref):
    out_ref[...] = in_ref[...].reshape(out_ref.shape)


def _untile_tc(flat, e, dp, rows_per_block):
    nblk = e // rows_per_block
    in_rows = rows_per_block * dp // 128
    in3 = flat.reshape(nblk, in_rows, 128)
    return pl.pallas_call(
        _untile_body,
        grid=(nblk,),
        in_specs=[pl.BlockSpec((1, in_rows, 128), lambda i: (i, 0, 0))],
        out_specs=pl.BlockSpec((rows_per_block, dp), lambda i: (i, 0)),
        out_shape=jax.ShapeDtypeStruct((e, dp), jnp.float32),
    )(in3)



def kernel(x, lengths, cap_obj_nums, cap_pred_nums, cap_obj_list, cap_rel_list,
           word_embed, W_ih, W_hh, b_ih, b_hh, obj_embed, rel_embed,
           lin_W, lin_b):
    del cap_obj_nums, cap_pred_nums, W_hh
    b = x.shape[0]
    e = cap_rel_list.shape[0]
    nv, dp = rel_embed.shape
    x0 = x[:, 0]
    p_idx = cap_rel_list[:, 1]
    cap, proj, pair3 = _dense_tc(x0, word_embed, W_ih, b_ih, b_hh, lengths,
                                 obj_embed, lin_W, lin_b, rel_embed)
    pair_table = pair3.reshape(nv * nv, 2 * dp + 8)
    pred2 = _sc_pred(p_idx, pair_table, nv, dp)
    obj_vecs = _sc_obj(cap_obj_list, proj)
    pred_vecs = pred2.reshape(e, dp)
    cap_emb = cap.reshape(b, 1, EMBED)
    return (cap_emb, lengths, obj_vecs, pred_vecs)

# --- scband reference (transcript-rebuilt; emitter-appended) ---
"""Pipeline reference for scband-encoder-text-gcn-66030827208768 (READ-ONLY COPY).

The authoritative reference and input builder live on the scoring server;
editing this copy changes nothing except your own understanding.
"""

import jax, jax.numpy as jnp
import numpy as np

B = 128; L = 64; VOCAB = 30000; WORD_DIM = 300; EMBED = 1024; GCONV = 128
OBJ_V = 150; REL_V = 50; O = 100000; E = 200000


def l2norm(X, dim, eps=1e-08):
    norm = jnp.sqrt(jnp.sum(jnp.power(X, 2), axis=dim, keepdims=True)) + eps
    return X / norm


def gru_forward(xseq, lengths, W_ih, W_hh, b_ih, b_hh):
    T = xseq.shape[1]
    H = W_hh.shape[1]

    def cell(h, inp):
        xt, t = inp
        gi = xt @ W_ih.T + b_ih
        gh = h @ W_hh.T + b_hh
        i_r, i_z, i_n = jnp.split(gi, 3, axis=-1)
        h_r, h_z, h_n = jnp.split(gh, 3, axis=-1)
        r = jax.nn.sigmoid(i_r + h_r)
        z = jax.nn.sigmoid(i_z + h_z)
        n = jnp.tanh(i_n + r * h_n)
        h_new = (1.0 - z) * n + z * h
        mask = (t < lengths)[:, None]
        h_keep = jnp.where(mask, h_new, h)
        out = jnp.where(mask, h_new, 0.0)
        return h_keep, out

    h0 = jnp.zeros((xseq.shape[0], H), xseq.dtype)
    _, outs = jax.lax.scan(cell, h0, (jnp.swapaxes(xseq, 0, 1), jnp.arange(T)))
    return jnp.swapaxes(outs, 0, 1)


def setup_inputs(seed: int = 0):
    key = jax.random.key(seed)
    ks = jax.random.split(key, 12)
    x = jax.random.randint(ks[0], (B, L), 0, VOCAB, dtype=jnp.int32)
    lengths = jnp.ones((B,), dtype=jnp.int32)
    cap_obj_nums = jax.random.randint(ks[1], (B,), 0, 100, dtype=jnp.int32)
    cap_pred_nums = jax.random.randint(ks[2], (B,), 0, 100, dtype=jnp.int32)
    cap_obj_list = jax.random.randint(ks[3], (O,), 0, OBJ_V, dtype=jnp.int32)
    cap_rel_list = jax.random.randint(ks[4], (E, 3), 0, REL_V, dtype=jnp.int32)
    word_embed = jax.random.uniform(ks[5], (VOCAB, WORD_DIM), jnp.float32, -0.1, 0.1)
    obj_embed = jax.random.uniform(ks[6], (OBJ_V, WORD_DIM), jnp.float32, -0.1, 0.1)
    rel_embed = jax.random.uniform(ks[7], (REL_V, WORD_DIM), jnp.float32, -0.1, 0.1)
    s = 1.0 / np.sqrt(EMBED)
    W_ih = jax.random.uniform(ks[8], (3 * EMBED, WORD_DIM), jnp.float32, -s, s)
    W_hh = jax.random.uniform(ks[9], (3 * EMBED, EMBED), jnp.float32, -s, s)
    b_ih = jnp.zeros((3 * EMBED,), jnp.float32)
    b_hh = jnp.zeros((3 * EMBED,), jnp.float32)
    sl = 1.0 / np.sqrt(WORD_DIM)
    lin_W = jax.random.uniform(ks[10], (GCONV, WORD_DIM), jnp.float32, -sl, sl)
    lin_b = jnp.zeros((GCONV,), jnp.float32)
    return {"x": x, "lengths": lengths, "cap_obj_nums": cap_obj_nums,
            "cap_pred_nums": cap_pred_nums, "cap_obj_list": cap_obj_list,
            "cap_rel_list": cap_rel_list, "word_embed": word_embed,
            "W_ih": W_ih, "W_hh": W_hh, "b_ih": b_ih, "b_hh": b_hh,
            "obj_embed": obj_embed, "rel_embed": rel_embed,
            "lin_W": lin_W, "lin_b": lin_b}


def reference(x, lengths, cap_obj_nums, cap_pred_nums, cap_obj_list, cap_rel_list,
              word_embed, W_ih, W_hh, b_ih, b_hh, obj_embed, rel_embed, lin_W, lin_b):
    xe = jnp.take(word_embed, x, axis=0)
    outs = gru_forward(xe, lengths, W_ih, W_hh, b_ih, b_hh)
    T_out = 1
    cap_emb = outs[:, :T_out, :]
    cap_emb = l2norm(cap_emb, dim=-1)
    cap_len = lengths
    s_idx = cap_rel_list[:, 0]
    p_idx = cap_rel_list[:, 1]
    o_idx = cap_rel_list[:, 2]
    edges = jnp.stack([s_idx, o_idx], axis=1)  # built but unused on Linear gconv path (gconv_num_layers=0)
    cap_object = jnp.take(obj_embed, cap_obj_list, axis=0)
    pred_vecs = jnp.take(rel_embed, p_idx, axis=0)
    obj_vecs = cap_object @ lin_W.T + lin_b
    return (cap_emb, cap_len, obj_vecs, pred_vecs)

if __name__ == "__main__":
    import jax
    _d = setup_inputs()
    print(jax.jit(kernel)(*tuple(_d.values())))

</pallas_src>

<mosaic_0001>
#map = affine_map<(d0, d1) -> (0)>
#map1 = affine_map<(d0, d1) -> (0, 0)>
module attributes {stable_mosaic.version = 14 : i64} {
  func.func @kobj(%arg0: i32, %arg1: i32, %arg2: memref<100000xi32, #tpu.memory_space<hbm>>, %arg3: memref<150x128xf32, #tpu.memory_space<hbm>>, %arg4: memref<100000x128xf32, #tpu.memory_space<hbm>>, %arg5: memref<80xi32, #tpu.memory_space<vmem>>, %arg6: memref<80x128xf32, #tpu.memory_space<vmem>>, %arg7: memref<80x128xf32, #tpu.memory_space<vmem>>, %arg8: memref<!tpu.dma_semaphore, #tpu.memory_space<semaphore_mem>>, %arg9: memref<!tpu.dma_semaphore, #tpu.memory_space<semaphore_mem>>, %arg10: memref<!tpu.dma_semaphore, #tpu.memory_space<semaphore_mem>>) attributes {dimension_semantics = [#tpu.dimension_semantics<core_parallel>, #tpu.dimension_semantics<subcore_parallel>], iteration_bounds = array<i64: 2, 16>, scalar_prefetch = 0 : i64, scratch_operands = 6 : i64, tpu.core_type = #tpu.core_type<sc_vector_subcore>, window_params = [{transform_indices = #map}, {transform_indices = #map1}, {transform_indices = #map1}]} {
    %mul3A = arith.constant 2 : i32
    %mul3A_0 = arith.muli %arg1, %mul3A : i32
    %add3A = arith.addi %mul3A_0, %arg0 : i32
    %scan3A = arith.constant 0 : i32
    %scan3A_1 = arith.constant 0 : i32
    %scan3A_2 = arith.constant 20 : i32
    %scan3A_3 = arith.addi %scan3A_1, %scan3A_2 : i32
    %scan3A_4 = arith.constant 1 : i32
    scf.for %scan3A_17 = %scan3A_1 to %scan3A_3 step %scan3A_4  : i32 {
      %mul3A_18 = arith.constant 2 : i32
      %mul3A_19 = arith.muli %scan3A_17, %mul3A_18 : i32
      %add3A_20 = arith.constant 0 : i32
      %add3A_21 = arith.addi %mul3A_19, %add3A_20 : i32
      %mul3A_22 = arith.constant 32 : i32
      %mul3A_23 = arith.muli %add3A_21, %mul3A_22 : i32
      %add3A_24 = arith.addi %mul3A_23, %add3A : i32
      %lt3A = arith.constant 1250 : i32
      %lt3A_25 = arith.cmpi slt, %add3A_24, %lt3A : i32
      %convert_element_type3A = arith.extui %lt3A_25 : i1 to i32
      %cond3A = arith.constant 0 : i32
      %cond3A_26 = arith.cmpi ne, %convert_element_type3A, %cond3A : i32
      scf.if %cond3A_26 {
        %mul3A_39 = arith.constant 80 : i32
        %mul3A_40 = arith.muli %add3A_24, %mul3A_39 : i32
        "tpu.region"() ({
          %run_scoped3A = tpu.sem_alloc : memref<!tpu.dma_semaphore, #tpu.memory_space<semaphore_mem>>
          %dma_start3A_54 = tpu.memref_slice %arg2[%mul3A_40] : memref<100000xi32, #tpu.memory_space<hbm>> -> memref<80xi32, #tpu.memory_space<hbm>>
          %dma_start3A_55 = tpu.memref_slice %arg2[%mul3A_40] : memref<100000xi32, #tpu.memory_space<hbm>> -> memref<80xi32, #tpu.memory_space<hbm>>
          tpu.enqueue_dma source(%dma_start3A_55 : memref<80xi32, #tpu.memory_space<hbm>>) target(%arg5 : memref<80xi32, #tpu.memory_space<vmem>>) target_semaphore(%run_scoped3A : memref<!tpu.dma_semaphore, #tpu.memory_space<semaphore_mem>>)
          %dma_wait3A_56 = tpu.memref_slice %arg2[%mul3A_40] : memref<100000xi32, #tpu.memory_space<hbm>> -> memref<80xi32, #tpu.memory_space<hbm>>
          %dma_wait3A_57 = tpu.memref_slice %arg2[%mul3A_40] : memref<100000xi32, #tpu.memory_space<hbm>> -> memref<80xi32, #tpu.memory_space<hbm>>
          tpu.wait_dma2 semaphore(%run_scoped3A : memref<!tpu.dma_semaphore, #tpu.memory_space<semaphore_mem>>) src(%dma_wait3A_57 : memref<80xi32, #tpu.memory_space<hbm>>) dst(%arg5 : memref<80xi32, #tpu.memory_space<vmem>>)
          tpu.yield
        }) : () -> ()
        %gt3A = arith.constant 0 : i32
        %gt3A_41 = arith.cmpi sgt, %scan3A_17, %gt3A : i32
        %convert_element_type3A_42 = arith.extui %gt3A_41 : i1 to i32
        %cond3A_43 = arith.constant 0 : i32
        %cond3A_44 = arith.cmpi ne, %convert_element_type3A_42, %cond3A_43 : i32
        scf.if %cond3A_44 {
          %dma_wait3A_54 = arith.constant 0 : i32
          %dma_wait3A_55 = tpu.memref_slice %arg4[%mul3A_40, %dma_wait3A_54] : memref<100000x128xf32, #tpu.memory_space<hbm>> -> memref<80x128xf32, #tpu.memory_space<hbm>>
          %dma_wait3A_56 = arith.constant 0 : i32
          %dma_wait3A_57 = tpu.memref_slice %arg4[%mul3A_40, %dma_wait3A_56] : memref<100000x128xf32, #tpu.memory_space<hbm>> -> memref<80x128xf32, #tpu.memory_space<hbm>>
          tpu.wait_dma2 semaphore(%arg9 : memref<!tpu.dma_semaphore, #tpu.memory_space<semaphore_mem>>) src(%arg6 : memref<80x128xf32, #tpu.memory_space<vmem>>) dst(%dma_wait3A_57 : memref<80x128xf32, #tpu.memory_space<hbm>>)
        } else {
        }
        %dma_start3A = arith.constant 0 : i32
        %dma_start3A_45 = arith.constant 0 : i32
        %dma_start3A_46 = tpu.memref_slice %arg3[%dma_start3A, %dma_start3A_45] : memref<150x128xf32, #tpu.memory_space<hbm>> -> memref<150x128xf32, #tpu.memory_space<hbm>>
        tpu.enqueue_indirect_dma source(%dma_start3A_46 : memref<150x128xf32, #tpu.memory_space<hbm>>) target(%arg6 : memref<80x128xf32, #tpu.memory_space<vmem>>) offsets(%arg5 : memref<80xi32, #tpu.memory_space<vmem>>) semaphore(%arg8 : memref<!tpu.dma_semaphore, #tpu.memory_space<semaphore_mem>>)
        %dma_wait3A_47 = arith.constant 0 : i32
        %dma_wait3A_48 = arith.constant 0 : i32
        %dma_wait3A_49 = tpu.memref_slice %arg3[%dma_wait3A_47, %dma_wait3A_48] : memref<150x128xf32, #tpu.memory_space<hbm>> -> memref<150x128xf32, #tpu.memory_space<hbm>>
        tpu.wait_indirect_dma semaphore(%arg8 : memref<!tpu.dma_semaphore, #tpu.memory_space<semaphore_mem>>) src(%dma_wait3A_49 : memref<150x128xf32, #tpu.memory_space<hbm>>) dst(%arg6 : memref<80x128xf32, #tpu.memory_space<vmem>>)
        %dma_start3A_50 = arith.constant 0 : i32
        %dma_start3A_51 = tpu.memref_slice %arg4[%mul3A_40, %dma_start3A_50] : memref<100000x128xf32, #tpu.memory_space<hbm>> -> memref<80x128xf32, #tpu.memory_space<hbm>>
        %dma_start3A_52 = arith.constant 0 : i32
        %dma_start3A_53 = tpu.memref_slice %arg4[%mul3A_40, %dma_start3A_52] : memref<100000x128xf32, #tpu.memory_space<hbm>> -> memref<80x128xf32, #tpu.memory_space<hbm>>
        tpu.enqueue_dma source(%arg6 : memref<80x128xf32, #tpu.memory_space<vmem>>) target(%dma_start3A_53 : memref<80x128xf32, #tpu.memory_space<hbm>>) target_semaphore(%arg9 : memref<!tpu.dma_semaphore, #tpu.memory_space<semaphore_mem>>)
      } else {
      }
      %mul3A_27 = arith.constant 2 : i32
      %mul3A_28 = arith.muli %scan3A_17, %mul3A_27 : i32
      %add3A_29 = arith.constant 1 : i32
      %add3A_30 = arith.addi %mul3A_28, %add3A_29 : i32
      %mul3A_31 = arith.constant 32 : i32
      %mul3A_32 = arith.muli %add3A_30, %mul3A_31 : i32
      %add3A_33 = arith.addi %mul3A_32, %add3A : i32
      %lt3A_34 = arith.constant 1250 : i32
      %lt3A_35 = arith.cmpi slt, %add3A_33, %lt3A_34 : i32
      %convert_element_type3A_36 = arith.extui %lt3A_35 : i1 to i32
      %cond3A_37 = arith.constant 0 : i32
      %cond3A_38 = arith.cmpi ne, %convert_element_type3A_36, %cond3A_37 : i32
      scf.if %cond3A_38 {
        %mul3A_39 = arith.constant 80 : i32
        %mul3A_40 = arith.muli %add3A_33, %mul3A_39 : i32
        "tpu.region"() ({
          %run_scoped3A = tpu.sem_alloc : memref<!tpu.dma_semaphore, #tpu.memory_space<semaphore_mem>>
          %dma_start3A_54 = tpu.memref_slice %arg2[%mul3A_40] : memref<100000xi32, #tpu.memory_space<hbm>> -> memref<80xi32, #tpu.memory_space<hbm>>
          %dma_start3A_55 = tpu.memref_slice %arg2[%mul3A_40] : memref<100000xi32, #tpu.memory_space<hbm>> -> memref<80xi32, #tpu.memory_space<hbm>>
          tpu.enqueue_dma source(%dma_start3A_55 : memref<80xi32, #tpu.memory_space<hbm>>) target(%arg5 : memref<80xi32, #tpu.memory_space<vmem>>) target_semaphore(%run_scoped3A : memref<!tpu.dma_semaphore, #tpu.memory_space<semaphore_mem>>)
          %dma_wait3A_56 = tpu.memref_slice %arg2[%mul3A_40] : memref<100000xi32, #tpu.memory_space<hbm>> -> memref<80xi32, #tpu.memory_space<hbm>>
          %dma_wait3A_57 = tpu.memref_slice %arg2[%mul3A_40] : memref<100000xi32, #tpu.memory_space<hbm>> -> memref<80xi32, #tpu.memory_space<hbm>>
          tpu.wait_dma2 semaphore(%run_scoped3A : memref<!tpu.dma_semaphore, #tpu.memory_space<semaphore_mem>>) src(%dma_wait3A_57 : memref<80xi32, #tpu.memory_space<hbm>>) dst(%arg5 : memref<80xi32, #tpu.memory_space<vmem>>)
          tpu.yield
        }) : () -> ()
        %gt3A = arith.constant 0 : i32
        %gt3A_41 = arith.cmpi sgt, %scan3A_17, %gt3A : i32
        %convert_element_type3A_42 = arith.extui %gt3A_41 : i1 to i32
        %cond3A_43 = arith.constant 0 : i32
        %cond3A_44 = arith.cmpi ne, %convert_element_type3A_42, %cond3A_43 : i32
        scf.if %cond3A_44 {
          %dma_wait3A_54 = arith.constant 0 : i32
          %dma_wait3A_55 = tpu.memref_slice %arg4[%mul3A_40, %dma_wait3A_54] : memref<100000x128xf32, #tpu.memory_space<hbm>> -> memref<80x128xf32, #tpu.memory_space<hbm>>
          %dma_wait3A_56 = arith.constant 0 : i32
          %dma_wait3A_57 = tpu.memref_slice %arg4[%mul3A_40, %dma_wait3A_56] : memref<100000x128xf32, #tpu.memory_space<hbm>> -> memref<80x128xf32, #tpu.memory_space<hbm>>
          tpu.wait_dma2 semaphore(%arg10 : memref<!tpu.dma_semaphore, #tpu.memory_space<semaphore_mem>>) src(%arg7 : memref<80x128xf32, #tpu.memory_space<vmem>>) dst(%dma_wait3A_57 : memref<80x128xf32, #tpu.memory_space<hbm>>)
        } else {
        }
        %dma_start3A = arith.constant 0 : i32
        %dma_start3A_45 = arith.constant 0 : i32
        %dma_start3A_46 = tpu.memref_slice %arg3[%dma_start3A, %dma_start3A_45] : memref<150x128xf32, #tpu.memory_space<hbm>> -> memref<150x128xf32, #tpu.memory_space<hbm>>
        tpu.enqueue_indirect_dma source(%dma_start3A_46 : memref<150x128xf32, #tpu.memory_space<hbm>>) target(%arg7 : memref<80x128xf32, #tpu.memory_space<vmem>>) offsets(%arg5 : memref<80xi32, #tpu.memory_space<vmem>>) semaphore(%arg8 : memref<!tpu.dma_semaphore, #tpu.memory_space<semaphore_mem>>)
        %dma_wait3A_47 = arith.constant 0 : i32
        %dma_wait3A_48 = arith.constant 0 : i32
        %dma_wait3A_49 = tpu.memref_slice %arg3[%dma_wait3A_47, %dma_wait3A_48] : memref<150x128xf32, #tpu.memory_space<hbm>> -> memref<150x128xf32, #tpu.memory_space<hbm>>
        tpu.wait_indirect_dma semaphore(%arg8 : memref<!tpu.dma_semaphore, #tpu.memory_space<semaphore_mem>>) src(%dma_wait3A_49 : memref<150x128xf32, #tpu.memory_space<hbm>>) dst(%arg7 : memref<80x128xf32, #tpu.memory_space<vmem>>)
        %dma_start3A_50 = arith.constant 0 : i32
        %dma_start3A_51 = tpu.memref_slice %arg4[%mul3A_40, %dma_start3A_50] : memref<100000x128xf32, #tpu.memory_space<hbm>> -> memref<80x128xf32, #tpu.memory_space<hbm>>
        %dma_start3A_52 = arith.constant 0 : i32
        %dma_start3A_53 = tpu.memref_slice %arg4[%mul3A_40, %dma_start3A_52] : memref<100000x128xf32, #tpu.memory_space<hbm>> -> memref<80x128xf32, #tpu.memory_space<hbm>>
        tpu.enqueue_dma source(%arg7 : memref<80x128xf32, #tpu.memory_space<vmem>>) target(%dma_start3A_53 : memref<80x128xf32, #tpu.memory_space<hbm>>) target_semaphore(%arg10 : memref<!tpu.dma_semaphore, #tpu.memory_space<semaphore_mem>>)
      } else {
      }
    }
    %scan3A_5 = arith.constant 20 : i32
    %dma_wait3A = arith.constant 0 : i32
    %dma_wait3A_6 = arith.constant 0 : i32
    %dma_wait3A_7 = tpu.memref_slice %arg4[%dma_wait3A, %dma_wait3A_6] : memref<100000x128xf32, #tpu.memory_space<hbm>> -> memref<80x128xf32, #tpu.memory_space<hbm>>
    %dma_wait3A_8 = arith.constant 0 : i32
    %dma_wait3A_9 = arith.constant 0 : i32
    %dma_wait3A_10 = tpu.memref_slice %arg4[%dma_wait3A_8, %dma_wait3A_9] : memref<100000x128xf32, #tpu.memory_space<hbm>> -> memref<80x128xf32, #tpu.memory_space<hbm>>
    tpu.wait_dma2 semaphore(%arg9 : memref<!tpu.dma_semaphore, #tpu.memory_space<semaphore_mem>>) src(%arg6 : memref<80x128xf32, #tpu.memory_space<vmem>>) dst(%dma_wait3A_10 : memref<80x128xf32, #tpu.memory_space<hbm>>)
    %dma_wait3A_11 = arith.constant 0 : i32
    %dma_wait3A_12 = arith.constant 0 : i32
    %dma_wait3A_13 = tpu.memref_slice %arg4[%dma_wait3A_11, %dma_wait3A_12] : memref<100000x128xf32, #tpu.memory_space<hbm>> -> memref<80x128xf32, #tpu.memory_space<hbm>>
    %dma_wait3A_14 = arith.constant 0 : i32
    %dma_wait3A_15 = arith.constant 0 : i32
    %dma_wait3A_16 = tpu.memref_slice %arg4[%dma_wait3A_14, %dma_wait3A_15] : memref<100000x128xf32, #tpu.memory_space<hbm>> -> memref<80x128xf32, #tpu.memory_space<hbm>>
    tpu.wait_dma2 semaphore(%arg10 : memref<!tpu.dma_semaphore, #tpu.memory_space<semaphore_mem>>) src(%arg7 : memref<80x128xf32, #tpu.memory_space<vmem>>) dst(%dma_wait3A_16 : memref<80x128xf32, #tpu.memory_space<hbm>>)
    return
  }
}

#map = affine_map<(d0, d1) -> (0)>
#map1 = affine_map<(d0, d1) -> (0, 0)>
module attributes {stable_mosaic.version = 14 : i64} {
  func.func @k(%arg0: i32, %arg1: i32, %arg2: memref<200000xi32, #tpu.memory_space<hbm>>, %arg3: memref<2500x608xf32, #tpu.memory_space<hbm>>, %arg4: memref<100000x600xf32, #tpu.memory_space<hbm>>, %arg5: memref<160xi32, #tpu.memory_space<vmem>>, %arg6: memref<80xi32, #tpu.memory_space<vmem>>, %arg7: memref<80x608xf32, #tpu.memory_space<vmem>>, %arg8: memref<80x608xf32, #tpu.memory_space<vmem>>, %arg9: memref<!tpu.dma_semaphore, #tpu.memory_space<semaphore_mem>>, %arg10: memref<!tpu.dma_semaphore, #tpu.memory_space<semaphore_mem>>, %arg11: memref<!tpu.dma_semaphore, #tpu.memory_space<semaphore_mem>>) attributes {dimension_semantics = [#tpu.dimension_semantics<core_parallel>, #tpu.dimension_semantics<subcore_parallel>], iteration_bounds = array<i64: 2, 16>, scalar_prefetch = 0 : i64, scratch_operands = 7 : i64, tpu.core_type = #tpu.core_type<sc_vector_subcore>, window_params = [{transform_indices = #map}, {transform_indices = #map1}, {transform_indices = #map1}]} {
    %mul3A = arith.constant 2 : i32
    %mul3A_0 = arith.muli %arg1, %mul3A : i32
    %add3A = arith.addi %mul3A_0, %arg0 : i32
    %iota3A = tpu.iota {dimensions = array<i32: 0>} : vector<16xi32>
    %scan3A = arith.constant 0 : i32
    %scan3A_1 = arith.constant 0 : i32
    %scan3A_2 = arith.constant 20 : i32
    %scan3A_3 = arith.addi %scan3A_1, %scan3A_2 : i32
    %scan3A_4 = arith.constant 1 : i32
    scf.for %scan3A_29 = %scan3A_1 to %scan3A_3 step %scan3A_4  : i32 {
      %mul3A_30 = arith.constant 2 : i32
      %mul3A_31 = arith.muli %scan3A_29, %mul3A_30 : i32
      %add3A_32 = arith.constant 0 : i32
      %add3A_33 = arith.addi %mul3A_31, %add3A_32 : i32
      %mul3A_34 = arith.constant 32 : i32
      %mul3A_35 = arith.muli %add3A_33, %mul3A_34 : i32
      %add3A_36 = arith.addi %mul3A_35, %add3A : i32
      %lt3A = arith.constant 1250 : i32
      %lt3A_37 = arith.cmpi slt, %add3A_36, %lt3A : i32
      %convert_element_type3A = arith.extui %lt3A_37 : i1 to i32
      %cond3A = arith.constant 0 : i32
      %cond3A_38 = arith.cmpi ne, %convert_element_type3A, %cond3A : i32
      scf.if %cond3A_38 {
        %mul3A_51 = arith.constant 80 : i32
        %mul3A_52 = arith.muli %add3A_36, %mul3A_51 : i32
        %mul3A_53 = arith.constant 2 : i32
        %mul3A_54 = arith.muli %mul3A_53, %mul3A_52 : i32
        "tpu.region"() ({
          %run_scoped3A = tpu.sem_alloc : memref<!tpu.dma_semaphore, #tpu.memory_space<semaphore_mem>>
          %dma_start3A_157 = tpu.memref_slice %arg2[%mul3A_54] : memref<200000xi32, #tpu.memory_space<hbm>> -> memref<160xi32, #tpu.memory_space<hbm>>
          %dma_start3A_158 = tpu.memref_slice %arg2[%mul3A_54] : memref<200000xi32, #tpu.memory_space<hbm>> -> memref<160xi32, #tpu.memory_space<hbm>>
          tpu.enqueue_dma source(%dma_start3A_158 : memref<160xi32, #tpu.memory_space<hbm>>) target(%arg5 : memref<160xi32, #tpu.memory_space<vmem>>) target_semaphore(%run_scoped3A : memref<!tpu.dma_semaphore, #tpu.memory_space<semaphore_mem>>)
          %dma_wait3A_159 = tpu.memref_slice %arg2[%mul3A_54] : memref<200000xi32, #tpu.memory_space<hbm>> -> memref<160xi32, #tpu.memory_space<hbm>>
          %dma_wait3A_160 = tpu.memref_slice %arg2[%mul3A_54] : memref<200000xi32, #tpu.memory_space<hbm>> -> memref<160xi32, #tpu.memory_space<hbm>>
          tpu.wait_dma2 semaphore(%run_scoped3A : memref<!tpu.dma_semaphore, #tpu.memory_space<semaphore_mem>>) src(%dma_wait3A_160 : memref<160xi32, #tpu.memory_space<hbm>>) dst(%arg5 : memref<160xi32, #tpu.memory_space<vmem>>)
          tpu.yield
        }) : () -> ()
        %add3A_55 = arith.constant 0 : i32
        %add3A_56 = vector.broadcast %add3A_55 : i32 to vector<16xi32>
        %add3A_57 = arith.addi %add3A_56, %iota3A : vector<16xi32>
        %mul3A_58 = arith.constant 2 : i32
        %mul3A_59 = vector.broadcast %mul3A_58 : i32 to vector<16xi32>
        %mul3A_60 = arith.muli %add3A_57, %mul3A_59 : vector<16xi32>
        %gather3A = tpu.vector_load_idx %arg5[%mul3A_60] : memref<160xi32, #tpu.memory_space<vmem>>[vector<16xi32>], vector<16xi32>,
        %add3A_61 = arith.constant 1 : i32
        %add3A_62 = vector.broadcast %add3A_61 : i32 to vector<16xi32>
        %add3A_63 = arith.addi %mul3A_60, %add3A_62 : vector<16xi32>
        %gather3A_64 = tpu.vector_load_idx %arg5[%add3A_63] : memref<160xi32, #tpu.memory_space<vmem>>[vector<16xi32>], vector<16xi32>,
        %mul3A_65 = arith.constant 50 : i32
        %mul3A_66 = vector.broadcast %mul3A_65 : i32 to vector<16xi32>
        %mul3A_67 = arith.muli %gather3A, %mul3A_66 : vector<16xi32>
        %add3A_68 = arith.addi %mul3A_67, %gather3A_64 : vector<16xi32>
        %swap3A = arith.constant 0 : index
        %swap3A_69 = tpu.vector_load %arg6[%swap3A] {strides = array<i32>} : memref<80xi32, #tpu.memory_space<vmem>>, vector<16xi32>,
        tpu.vector_store %arg6[%swap3A], %add3A_68 {strides = array<i32>} : memref<80xi32, #tpu.memory_space<vmem>>, vector<16xi32>,
        %add3A_70 = arith.constant 16 : i32
        %add3A_71 = vector.broadcast %add3A_70 : i32 to vector<16xi32>
        %add3A_72 = arith.addi %add3A_71, %iota3A : vector<16xi32>
        %mul3A_73 = arith.constant 2 : i32
        %mul3A_74 = vector.broadcast %mul3A_73 : i32 to vector<16xi32>
        %mul3A_75 = arith.muli %add3A_72, %mul3A_74 : vector<16xi32>
        %gather3A_76 = tpu.vector_load_idx %arg5[%mul3A_75] : memref<160xi32, #tpu.memory_space<vmem>>[vector<16xi32>], vector<16xi32>,
        %add3A_77 = arith.constant 1 : i32
        %add3A_78 = vector.broadcast %add3A_77 : i32 to vector<16xi32>
        %add3A_79 = arith.addi %mul3A_75, %add3A_78 : vector<16xi32>
        %gather3A_80 = tpu.vector_load_idx %arg5[%add3A_79] : memref<160xi32, #tpu.memory_space<vmem>>[vector<16xi32>], vector<16xi32>,
        %mul3A_81 = arith.constant 50 : i32
        %mul3A_82 = vector.broadcast %mul3A_81 : i32 to vector<16xi32>
        %mul3A_83 = arith.muli %gather3A_76, %mul3A_82 : vector<16xi32>
        %add3A_84 = arith.addi %mul3A_83, %gather3A_80 : vector<16xi32>
        %swap3A_85 = arith.constant 16 : index
        %swap3A_86 = tpu.vector_load %arg6[%swap3A_85] {strides = array<i32>} : memref<80xi32, #tpu.memory_space<vmem>>, vector<16xi32>,
        tpu.vector_store %arg6[%swap3A_85], %add3A_84 {strides = array<i32>} : memref<80xi32, #tpu.memory_space<vmem>>, vector<16xi32>,
        %add3A_87 = arith.constant 32 : i32
        %add3A_88 = vector.broadcast %add3A_87 : i32 to vector<16xi32>
        %add3A_89 = arith.addi %add3A_88, %iota3A : vector<16xi32>
        %mul3A_90 = arith.constant 2 : i32
        %mul3A_91 = vector.broadcast %mul3A_90 : i32 to vector<16xi32>
        %mul3A_92 = arith.muli %add3A_89, %mul3A_91 : vector<16xi32>
        %gather3A_93 = tpu.vector_load_idx %arg5[%mul3A_92] : memref<160xi32, #tpu.memory_space<vmem>>[vector<16xi32>], vector<16xi32>,
        %add3A_94 = arith.constant 1 : i32
        %add3A_95 = vector.broadcast %add3A_94 : i32 to vector<16xi32>
        %add3A_96 = arith.addi %mul3A_92, %add3A_95 : vector<16xi32>
        %gather3A_97 = tpu.vector_load_idx %arg5[%add3A_96] : memref<160xi32, #tpu.memory_space<vmem>>[vector<16xi32>], vector<16xi32>,
        %mul3A_98 = arith.constant 50 : i32
        %mul3A_99 = vector.broadcast %mul3A_98 : i32 to vector<16xi32>
        %mul3A_100 = arith.muli %gather3A_93, %mul3A_99 : vector<16xi32>
        %add3A_101 = arith.addi %mul3A_100, %gather3A_97 : vector<16xi32>
        %swap3A_102 = arith.constant 32 : index
        %swap3A_103 = tpu.vector_load %arg6[%swap3A_102] {strides = array<i32>} : memref<80xi32, #tpu.memory_space<vmem>>, vector<16xi32>,
        tpu.vector_store %arg6[%swap3A_102], %add3A_101 {strides = array<i32>} : memref<80xi32, #tpu.memory_space<vmem>>, vector<16xi32>,
        %add3A_104 = arith.constant 48 : i32
        %add3A_105 = vector.broadcast %add3A_104 : i32 to vector<16xi32>
        %add3A_106 = arith.addi %add3A_105, %iota3A : vector<16xi32>
        %mul3A_107 = arith.constant 2 : i32
        %mul3A_108 = vector.broadcast %mul3A_107 : i32 to vector<16xi32>
        %mul3A_109 = arith.muli %add3A_106, %mul3A_108 : vector<16xi32>
        %gather3A_110 = tpu.vector_load_idx %arg5[%mul3A_109] : memref<160xi32, #tpu.memory_space<vmem>>[vector<16xi32>], vector<16xi32>,
        %add3A_111 = arith.constant 1 : i32
        %add3A_112 = vector.broadcast %add3A_111 : i32 to vector<16xi32>
        %add3A_113 = arith.addi %mul3A_109, %add3A_112 : vector<16xi32>
        %gather3A_114 = tpu.vector_load_idx %arg5[%add3A_113] : memref<160xi32, #tpu.memory_space<vmem>>[vector<16xi32>], vector<16xi32>,
        %mul3A_115 = arith.constant 50 : i32
        %mul3A_116 = vector.broadcast %mul3A_115 : i32 to vector<16xi32>
        %mul3A_117 = arith.muli %gather3A_110, %mul3A_116 : vector<16xi32>
        %add3A_118 = arith.addi %mul3A_117, %gather3A_114 : vector<16xi32>
        %swap3A_119 = arith.constant 48 : index
        %swap3A_120 = tpu.vector_load %arg6[%swap3A_119] {strides = array<i32>} : memref<80xi32, #tpu.memory_space<vmem>>, vector<16xi32>,
        tpu.vector_store %arg6[%swap3A_119], %add3A_118 {strides = array<i32>} : memref<80xi32, #tpu.memory_space<vmem>>, vector<16xi32>,
        %add3A_121 = arith.constant 64 : i32
        %add3A_122 = vector.broadcast %add3A_121 : i32 to vector<16xi32>
        %add3A_123 = arith.addi %add3A_122, %iota3A : vector<16xi32>
        %mul3A_124 = arith.constant 2 : i32
        %mul3A_125 = vector.broadcast %mul3A_124 : i32 to vector<16xi32>
        %mul3A_126 = arith.muli %add3A_123, %mul3A_125 : vector<16xi32>
        %gather3A_127 = tpu.vector_load_idx %arg5[%mul3A_126] : memref<160xi32, #tpu.memory_space<vmem>>[vector<16xi32>], vector<16xi32>,
        %add3A_128 = arith.constant 1 : i32
        %add3A_129 = vector.broadcast %add3A_128 : i32 to vector<16xi32>
        %add3A_130 = arith.addi %mul3A_126, %add3A_129 : vector<16xi32>
        %gather3A_131 = tpu.vector_load_idx %arg5[%add3A_130] : memref<160xi32, #tpu.memory_space<vmem>>[vector<16xi32>], vector<16xi32>,
        %mul3A_132 = arith.constant 50 : i32
        %mul3A_133 = vector.broadcast %mul3A_132 : i32 to vector<16xi32>
        %mul3A_134 = arith.muli %gather3A_127, %mul3A_133 : vector<16xi32>
        %add3A_135 = arith.addi %mul3A_134, %gather3A_131 : vector<16xi32>
        %swap3A_136 = arith.constant 64 : index
        %swap3A_137 = tpu.vector_load %arg6[%swap3A_136] {strides = array<i32>} : memref<80xi32, #tpu.memory_space<vmem>>, vector<16xi32>,
        tpu.vector_store %arg6[%swap3A_136], %add3A_135 {strides = array<i32>} : memref<80xi32, #tpu.memory_space<vmem>>, vector<16xi32>,
        %gt3A = arith.constant 0 : i32
        %gt3A_138 = arith.cmpi sgt, %scan3A_29, %gt3A : i32
        %convert_element_type3A_139 = arith.extui %gt3A_138 : i1 to i32
        %cond3A_140 = arith.constant 0 : i32
        %cond3A_141 = arith.cmpi ne, %convert_element_type3A_139, %cond3A_140 : i32
        scf.if %cond3A_141 {
          %dma_wait3A_157 = arith.constant 0 : i32
          %dma_wait3A_158 = arith.constant 0 : i32
          %dma_wait3A_159 = tpu.memref_slice %arg7[%dma_wait3A_157, %dma_wait3A_158] : memref<80x608xf32, #tpu.memory_space<vmem>> -> memref<80x600xf32, #tpu.memory_space<vmem>>
          %dma_wait3A_160 = arith.constant 0 : i32
          %dma_wait3A_161 = tpu.memref_slice %arg4[%mul3A_52, %dma_wait3A_160] : memref<100000x600xf32, #tpu.memory_space<hbm>> -> memref<80x600xf32, #tpu.memory_space<hbm>>
          %dma_wait3A_162 = arith.constant 0 : i32
          %dma_wait3A_163 = tpu.memref_slice %arg4[%mul3A_52, %dma_wait3A_162] : memref<100000x600xf32, #tpu.memory_space<hbm>> -> memref<80x600xf32, #tpu.memory_space<hbm>>
          %dma_wait3A_164 = arith.constant 0 : i32
          %dma_wait3A_165 = arith.constant 0 : i32
          %dma_wait3A_166 = tpu.memref_slice %arg7[%dma_wait3A_164, %dma_wait3A_165] : memref<80x608xf32, #tpu.memory_space<vmem>> -> memref<80x600xf32, #tpu.memory_space<vmem>>
          tpu.wait_dma2 semaphore(%arg10 : memref<!tpu.dma_semaphore, #tpu.memory_space<semaphore_mem>>) src(%dma_wait3A_166 : memref<80x600xf32, #tpu.memory_space<vmem>>) dst(%dma_wait3A_163 : memref<80x600xf32, #tpu.memory_space<hbm>>)
        } else {
        }
        %dma_start3A = arith.constant 0 : i32
        %dma_start3A_142 = arith.constant 0 : i32
        %dma_start3A_143 = tpu.memref_slice %arg3[%dma_start3A, %dma_start3A_142] : memref<2500x608xf32, #tpu.memory_space<hbm>> -> memref<2500x608xf32, #tpu.memory_space<hbm>>
        tpu.enqueue_indirect_dma source(%dma_start3A_143 : memref<2500x608xf32, #tpu.memory_space<hbm>>) target(%arg7 : memref<80x608xf32, #tpu.memory_space<vmem>>) offsets(%arg6 : memref<80xi32, #tpu.memory_space<vmem>>) semaphore(%arg9 : memref<!tpu.dma_semaphore, #tpu.memory_space<semaphore_mem>>)
        %dma_wait3A_144 = arith.constant 0 : i32
        %dma_wait3A_145 = arith.constant 0 : i32
        %dma_wait3A_146 = tpu.memref_slice %arg3[%dma_wait3A_144, %dma_wait3A_145] : memref<2500x608xf32, #tpu.memory_space<hbm>> -> memref<2500x608xf32, #tpu.memory_space<hbm>>
        tpu.wait_indirect_dma semaphore(%arg9 : memref<!tpu.dma_semaphore, #tpu.memory_space<semaphore_mem>>) src(%dma_wait3A_146 : memref<2500x608xf32, #tpu.memory_space<hbm>>) dst(%arg7 : memref<80x608xf32, #tpu.memory_space<vmem>>)
        %dma_start3A_147 = arith.constant 0 : i32
        %dma_start3A_148 = arith.constant 0 : i32
        %dma_start3A_149 = tpu.memref_slice %arg7[%dma_start3A_147, %dma_start3A_148] : memref<80x608xf32, #tpu.memory_space<vmem>> -> memref<80x600xf32, #tpu.memory_space<vmem>>
        %dma_start3A_150 = arith.constant 0 : i32
        %dma_start3A_151 = tpu.memref_slice %arg4[%mul3A_52, %dma_start3A_150] : memref<100000x600xf32, #tpu.memory_space<hbm>> -> memref<80x600xf32, #tpu.memory_space<hbm>>
        %dma_start3A_152 = arith.constant 0 : i32
        %dma_start3A_153 = tpu.memref_slice %arg4[%mul3A_52, %dma_start3A_152] : memref<100000x600xf32, #tpu.memory_space<hbm>> -> memref<80x600xf32, #tpu.memory_space<hbm>>
        %dma_start3A_154 = arith.constant 0 : i32
        %dma_start3A_155 = arith.constant 0 : i32
        %dma_start3A_156 = tpu.memref_slice %arg7[%dma_start3A_154, %dma_start3A_155] : memref<80x608xf32, #tpu.memory_space<vmem>> -> memref<80x600xf32, #tpu.memory_space<vmem>>
        tpu.enqueue_dma source(%dma_start3A_156 : memref<80x600xf32, #tpu.memory_space<vmem>>) target(%dma_start3A_153 : memref<80x600xf32, #tpu.memory_space<hbm>>) target_semaphore(%arg10 : memref<!tpu.dma_semaphore, #tpu.memory_space<semaphore_mem>>)
      } else {
      }
      %mul3A_39 = arith.constant 2 : i32
      %mul3A_40 = arith.muli %scan3A_29, %mul3A_39 : i32
      %add3A_41 = arith.constant 1 : i32
      %add3A_42 = arith.addi %mul3A_40, %add3A_41 : i32
      %mul3A_43 = arith.constant 32 : i32
      %mul3A_44 = arith.muli %add3A_42, %mul3A_43 : i32
      %add3A_45 = arith.addi %mul3A_44, %add3A : i32
      %lt3A_46 = arith.constant 1250 : i32
      %lt3A_47 = arith.cmpi slt, %add3A_45, %lt3A_46 : i32
      %convert_element_type3A_48 = arith.extui %lt3A_47 : i1 to i32
      %cond3A_49 = arith.constant 0 : i32
      %cond3A_50 = arith.cmpi ne, %convert_element_type3A_48, %cond3A_49 : i32
      scf.if %cond3A_50 {
        %mul3A_51 = arith.constant 80 : i32
        %mul3A_52 = arith.muli %add3A_45, %mul3A_51 : i32
        %mul3A_53 = arith.constant 2 : i32
        %mul3A_54 = arith.muli %mul3A_53, %mul3A_52 : i32
        "tpu.region"() ({
          %run_scoped3A = tpu.sem_alloc : memref<!tpu.dma_semaphore, #tpu.memory_space<semaphore_mem>>
          %dma_start3A_157 = tpu.memref_slice %arg2[%mul3A_54] : memref<200000xi32, #tpu.memory_space<hbm>> -> memref<160xi32, #tpu.memory_space<hbm>>
          %dma_start3A_158 = tpu.memref_slice %arg2[%mul3A_54] : memref<200000xi32, #tpu.memory_space<hbm>> -> memref<160xi32, #tpu.memory_space<hbm>>
          tpu.enqueue_dma source(%dma_start3A_158 : memref<160xi32, #tpu.memory_space<hbm>>) target(%arg5 : memref<160xi32, #tpu.memory_space<vmem>>) target_semaphore(%run_scoped3A : memref<!tpu.dma_semaphore, #tpu.memory_space<semaphore_mem>>)
          %dma_wait3A_159 = tpu.memref_slice %arg2[%mul3A_54] : memref<200000xi32, #tpu.memory_space<hbm>> -> memref<160xi32, #tpu.memory_space<hbm>>
          %dma_wait3A_160 = tpu.memref_slice %arg2[%mul3A_54] : memref<200000xi32, #tpu.memory_space<hbm>> -> memref<160xi32, #tpu.memory_space<hbm>>
          tpu.wait_dma2 semaphore(%run_scoped3A : memref<!tpu.dma_semaphore, #tpu.memory_space<semaphore_mem>>) src(%dma_wait3A_160 : memref<160xi32, #tpu.memory_space<hbm>>) dst(%arg5 : memref<160xi32, #tpu.memory_space<vmem>>)
          tpu.yield
        }) : () -> ()
        %add3A_55 = arith.constant 0 : i32
        %add3A_56 = vector.broadcast %add3A_55 : i32 to vector<16xi32>
        %add3A_57 = arith.addi %add3A_56, %iota3A : vector<16xi32>
        %mul3A_58 = arith.constant 2 : i32
        %mul3A_59 = vector.broadcast %mul3A_58 : i32 to vector<16xi32>
        %mul3A_60 = arith.muli %add3A_57, %mul3A_59 : vector<16xi32>
        %gather3A = tpu.vector_load_idx %arg5[%mul3A_60] : memref<160xi32, #tpu.memory_space<vmem>>[vector<16xi32>], vector<16xi32>,
        %add3A_61 = arith.constant 1 : i32
        %add3A_62 = vector.broadcast %add3A_61 : i32 to vector<16xi32>
        %add3A_63 = arith.addi %mul3A_60, %add3A_62 : vector<16xi32>
        %gather3A_64 = tpu.vector_load_idx %arg5[%add3A_63] : memref<160xi32, #tpu.memory_space<vmem>>[vector<16xi32>], vector<16xi32>,
        %mul3A_65 = arith.constant 50 : i32
        %mul3A_66 = vector.broadcast %mul3A_65 : i32 to vector<16xi32>
        %mul3A_67 = arith.muli %gather3A, %mul3A_66 : vector<16xi32>
        %add3A_68 = arith.addi %mul3A_67, %gather3A_64 : vector<16xi32>
        %swap3A = arith.constant 0 : index
        %swap3A_69 = tpu.vector_load %arg6[%swap3A] {strides = array<i32>} : memref<80xi32, #tpu.memory_space<vmem>>, vector<16xi32>,
        tpu.vector_store %arg6[%swap3A], %add3A_68 {strides = array<i32>} : memref<80xi32, #tpu.memory_space<vmem>>, vector<16xi32>,
        %add3A_70 = arith.constant 16 : i32
        %add3A_71 = vector.broadcast %add3A_70 : i32 to vector<16xi32>
        %add3A_72 = arith.addi %add3A_71, %iota3A : vector<16xi32>
        %mul3A_73 = arith.constant 2 : i32
        %mul3A_74 = vector.broadcast %mul3A_73 : i32 to vector<16xi32>
        %mul3A_75 = arith.muli %add3A_72, %mul3A_74 : vector<16xi32>
        %gather3A_76 = tpu.vector_load_idx %arg5[%mul3A_75] : memref<160xi32, #tpu.memory_space<vmem>>[vector<16xi32>], vector<16xi32>,
        %add3A_77 = arith.constant 1 : i32
        %add3A_78 = vector.broadcast %add3A_77 : i32 to vector<16xi32>
        %add3A_79 = arith.addi %mul3A_75, %add3A_78 : vector<16xi32>
        %gather3A_80 = tpu.vector_load_idx %arg5[%add3A_79] : memref<160xi32, #tpu.memory_space<vmem>>[vector<16xi32>], vector<16xi32>,
        %mul3A_81 = arith.constant 50 : i32
        %mul3A_82 = vector.broadcast %mul3A_81 : i32 to vector<16xi32>
        %mul3A_83 = arith.muli %gather3A_76, %mul3A_82 : vector<16xi32>
        %add3A_84 = arith.addi %mul3A_83, %gather3A_80 : vector<16xi32>
        %swap3A_85 = arith.constant 16 : index
        %swap3A_86 = tpu.vector_load %arg6[%swap3A_85] {strides = array<i32>} : memref<80xi32, #tpu.memory_space<vmem>>, vector<16xi32>,
        tpu.vector_store %arg6[%swap3A_85], %add3A_84 {strides = array<i32>} : memref<80xi32, #tpu.memory_space<vmem>>, vector<16xi32>,
        %add3A_87 = arith.constant 32 : i32
        %add3A_88 = vector.broadcast %add3A_87 : i32 to vector<16xi32>
        %add3A_89 = arith.addi %add3A_88, %iota3A : vector<16xi32>
        %mul3A_90 = arith.constant 2 : i32
        %mul3A_91 = vector.broadcast %mul3A_90 : i32 to vector<16xi32>
        %mul3A_92 = arith.muli %add3A_89, %mul3A_91 : vector<16xi32>
        %gather3A_93 = tpu.vector_load_idx %arg5[%mul3A_92] : memref<160xi32, #tpu.memory_space<vmem>>[vector<16xi32>], vector<16xi32>,
        %add3A_94 = arith.constant 1 : i32
        %add3A_95 = vector.broadcast %add3A_94 : i32 to vector<16xi32>
        %add3A_96 = arith.addi %mul3A_92, %add3A_95 : vector<16xi32>
        %gather3A_97 = tpu.vector_load_idx %arg5[%add3A_96] : memref<160xi32, #tpu.memory_space<vmem>>[vector<16xi32>], vector<16xi32>,
        %mul3A_98 = arith.constant 50 : i32
        %mul3A_99 = vector.broadcast %mul3A_98 : i32 to vector<16xi32>
        %mul3A_100 = arith.muli %gather3A_93, %mul3A_99 : vector<16xi32>
        %add3A_101 = arith.addi %mul3A_100, %gather3A_97 : vector<16xi32>
        %swap3A_102 = arith.constant 32 : index
        %swap3A_103 = tpu.vector_load %arg6[%swap3A_102] {strides = array<i32>} : memref<80xi32, #tpu.memory_space<vmem>>, vector<16xi32>,
        tpu.vector_store %arg6[%swap3A_102], %add3A_101 {strides = array<i32>} : memref<80xi32, #tpu.memory_space<vmem>>, vector<16xi32>,
        %add3A_104 = arith.constant 48 : i32
        %add3A_105 = vector.broadcast %add3A_104 : i32 to vector<16xi32>
        %add3A_106 = arith.addi %add3A_105, %iota3A : vector<16xi32>
        %mul3A_107 = arith.constant 2 : i32
        %mul3A_108 = vector.broadcast %mul3A_107 : i32 to vector<16xi32>
        %mul3A_109 = arith.muli %add3A_106, %mul3A_108 : vector<16xi32>
        %gather3A_110 = tpu.vector_load_idx %arg5[%mul3A_109] : memref<160xi32, #tpu.memory_space<vmem>>[vector<16xi32>], vector<16xi32>,
        %add3A_111 = arith.constant 1 : i32
        %add3A_112 = vector.broadcast %add3A_111 : i32 to vector<16xi32>
        %add3A_113 = arith.addi %mul3A_109, %add3A_112 : vector<16xi32>
        %gather3A_114 = tpu.vector_load_idx %arg5[%add3A_113] : memref<160xi32, #tpu.memory_space<vmem>>[vector<16xi32>], vector<16xi32>,
        %mul3A_115 = arith.constant 50 : i32
        %mul3A_116 = vector.broadcast %mul3A_115 : i32 to vector<16xi32>
        %mul3A_117 = arith.muli %gather3A_110, %mul3A_116 : vector<16xi32>
        %add3A_118 = arith.addi %mul3A_117, %gather3A_114 : vector<16xi32>
        %swap3A_119 = arith.constant 48 : index
        %swap3A_120 = tpu.vector_load %arg6[%swap3A_119] {strides = array<i32>} : memref<80xi32, #tpu.memory_space<vmem>>, vector<16xi32>,
        tpu.vector_store %arg6[%swap3A_119], %add3A_118 {strides = array<i32>} : memref<80xi32, #tpu.memory_space<vmem>>, vector<16xi32>,
        %add3A_121 = arith.constant 64 : i32
        %add3A_122 = vector.broadcast %add3A_121 : i32 to vector<16xi32>
        %add3A_123 = arith.addi %add3A_122, %iota3A : vector<16xi32>
        %mul3A_124 = arith.constant 2 : i32
        %mul3A_125 = vector.broadcast %mul3A_124 : i32 to vector<16xi32>
        %mul3A_126 = arith.muli %add3A_123, %mul3A_125 : vector<16xi32>
        %gather3A_127 = tpu.vector_load_idx %arg5[%mul3A_126] : memref<160xi32, #tpu.memory_space<vmem>>[vector<16xi32>], vector<16xi32>,
        %add3A_128 = arith.constant 1 : i32
        %add3A_129 = vector.broadcast %add3A_128 : i32 to vector<16xi32>
        %add3A_130 = arith.addi %mul3A_126, %add3A_129 : vector<16xi32>
        %gather3A_131 = tpu.vector_load_idx %arg5[%add3A_130] : memref<160xi32, #tpu.memory_space<vmem>>[vector<16xi32>], vector<16xi32>,
        %mul3A_132 = arith.constant 50 : i32
        %mul3A_133 = vector.broadcast %mul3A_132 : i32 to vector<16xi32>
        %mul3A_134 = arith.muli %gather3A_127, %mul3A_133 : vector<16xi32>
        %add3A_135 = arith.addi %mul3A_134, %gather3A_131 : vector<16xi32>
        %swap3A_136 = arith.constant 64 : index
        %swap3A_137 = tpu.vector_load %arg6[%swap3A_136] {strides = array<i32>} : memref<80xi32, #tpu.memory_space<vmem>>, vector<16xi32>,
        tpu.vector_store %arg6[%swap3A_136], %add3A_135 {strides = array<i32>} : memref<80xi32, #tpu.memory_space<vmem>>, vector<16xi32>,
        %gt3A = arith.constant 0 : i32
        %gt3A_138 = arith.cmpi sgt, %scan3A_29, %gt3A : i32
        %convert_element_type3A_139 = arith.extui %gt3A_138 : i1 to i32
        %cond3A_140 = arith.constant 0 : i32
        %cond3A_141 = arith.cmpi ne, %convert_element_type3A_139, %cond3A_140 : i32
        scf.if %cond3A_141 {
          %dma_wait3A_157 = arith.constant 0 : i32
          %dma_wait3A_158 = arith.constant 0 : i32
          %dma_wait3A_159 = tpu.memref_slice %arg8[%dma_wait3A_157, %dma_wait3A_158] : memref<80x608xf32, #tpu.memory_space<vmem>> -> memref<80x600xf32, #tpu.memory_space<vmem>>
          %dma_wait3A_160 = arith.constant 0 : i32
          %dma_wait3A_161 = tpu.memref_slice %arg4[%mul3A_52, %dma_wait3A_160] : memref<100000x600xf32, #tpu.memory_space<hbm>> -> memref<80x600xf32, #tpu.memory_space<hbm>>
          %dma_wait3A_162 = arith.constant 0 : i32
          %dma_wait3A_163 = tpu.memref_slice %arg4[%mul3A_52, %dma_wait3A_162] : memref<100000x600xf32, #tpu.memory_space<hbm>> -> memref<80x600xf32, #tpu.memory_space<hbm>>
          %dma_wait3A_164 = arith.constant 0 : i32
          %dma_wait3A_165 = arith.constant 0 : i32
          %dma_wait3A_166 = tpu.memref_slice %arg8[%dma_wait3A_164, %dma_wait3A_165] : memref<80x608xf32, #tpu.memory_space<vmem>> -> memref<80x600xf32, #tpu.memory_space<vmem>>
          tpu.wait_dma2 semaphore(%arg11 : memref<!tpu.dma_semaphore, #tpu.memory_space<semaphore_mem>>) src(%dma_wait3A_166 : memref<80x600xf32, #tpu.memory_space<vmem>>) dst(%dma_wait3A_163 : memref<80x600xf32, #tpu.memory_space<hbm>>)
        } else {
        }
        %dma_start3A = arith.constant 0 : i32
        %dma_start3A_142 = arith.constant 0 : i32
        %dma_start3A_143 = tpu.memref_slice %arg3[%dma_start3A, %dma_start3A_142] : memref<2500x608xf32, #tpu.memory_space<hbm>> -> memref<2500x608xf32, #tpu.memory_space<hbm>>
        tpu.enqueue_indirect_dma source(%dma_start3A_143 : memref<2500x608xf32, #tpu.memory_space<hbm>>) target(%arg8 : memref<80x608xf32, #tpu.memory_space<vmem>>) offsets(%arg6 : memref<80xi32, #tpu.memory_space<vmem>>) semaphore(%arg9 : memref<!tpu.dma_semaphore, #tpu.memory_space<semaphore_mem>>)
        %dma_wait3A_144 = arith.constant 0 : i32
        %dma_wait3A_145 = arith.constant 0 : i32
        %dma_wait3A_146 = tpu.memref_slice %arg3[%dma_wait3A_144, %dma_wait3A_145] : memref<2500x608xf32, #tpu.memory_space<hbm>> -> memref<2500x608xf32, #tpu.memory_space<hbm>>
        tpu.wait_indirect_dma semaphore(%arg9 : memref<!tpu.dma_semaphore, #tpu.memory_space<semaphore_mem>>) src(%dma_wait3A_146 : memref<2500x608xf32, #tpu.memory_space<hbm>>) dst(%arg8 : memref<80x608xf32, #tpu.memory_space<vmem>>)
        %dma_start3A_147 = arith.constant 0 : i32
        %dma_start3A_148 = arith.constant 0 : i32
        %dma_start3A_149 = tpu.memref_slice %arg8[%dma_start3A_147, %dma_start3A_148] : memref<80x608xf32, #tpu.memory_space<vmem>> -> memref<80x600xf32, #tpu.memory_space<vmem>>
        %dma_start3A_150 = arith.constant 0 : i32
        %dma_start3A_151 = tpu.memref_slice %arg4[%mul3A_52, %dma_start3A_150] : memref<100000x600xf32, #tpu.memory_space<hbm>> -> memref<80x600xf32, #tpu.memory_space<hbm>>
        %dma_start3A_152 = arith.constant 0 : i32
        %dma_start3A_153 = tpu.memref_slice %arg4[%mul3A_52, %dma_start3A_152] : memref<100000x600xf32, #tpu.memory_space<hbm>> -> memref<80x600xf32, #tpu.memory_space<hbm>>
        %dma_start3A_154 = arith.constant 0 : i32
        %dma_start3A_155 = arith.constant 0 : i32
        %dma_start3A_156 = tpu.memref_slice %arg8[%dma_start3A_154, %dma_start3A_155] : memref<80x608xf32, #tpu.memory_space<vmem>> -> memref<80x600xf32, #tpu.memory_space<vmem>>
        tpu.enqueue_dma source(%dma_start3A_156 : memref<80x600xf32, #tpu.memory_space<vmem>>) target(%dma_start3A_153 : memref<80x600xf32, #tpu.memory_space<hbm>>) target_semaphore(%arg11 : memref<!tpu.dma_semaphore, #tpu.memory_space<semaphore_mem>>)
      } else {
      }
    }
    %scan3A_5 = arith.constant 20 : i32
    %dma_wait3A = arith.constant 0 : i32
    %dma_wait3A_6 = arith.constant 0 : i32
    %dma_wait3A_7 = tpu.memref_slice %arg7[%dma_wait3A, %dma_wait3A_6] : memref<80x608xf32, #tpu.memory_space<vmem>> -> memref<80x600xf32, #tpu.memory_space<vmem>>
    %dma_wait3A_8 = arith.constant 0 : i32
    %dma_wait3A_9 = arith.constant 0 : i32
    %dma_wait3A_10 = tpu.memref_slice %arg4[%dma_wait3A_8, %dma_wait3A_9] : memref<100000x600xf32, #tpu.memory_space<hbm>> -> memref<80x600xf32, #tpu.memory_space<hbm>>
    %dma_wait3A_11 = arith.constant 0 : i32
    %dma_wait3A_12 = arith.constant 0 : i32
    %dma_wait3A_13 = tpu.memref_slice %arg4[%dma_wait3A_11, %dma_wait3A_12] : memref<100000x600xf32, #tpu.memory_space<hbm>> -> memref<80x600xf32, #tpu.memory_space<hbm>>
    %dma_wait3A_14 = arith.constant 0 : i32
    %dma_wait3A_15 = arith.constant 0 : i32
    %dma_wait3A_16 = tpu.memref_slice %arg7[%dma_wait3A_14, %dma_wait3A_15] : memref<80x608xf32, #tpu.memory_space<vmem>> -> memref<80x600xf32, #tpu.memory_space<vmem>>
    tpu.wait_dma2 semaphore(%arg10 : memref<!tpu.dma_semaphore, #tpu.memory_space<semaphore_mem>>) src(%dma_wait3A_16 : memref<80x600xf32, #tpu.memory_space<vmem>>) dst(%dma_wait3A_13 : memref<80x600xf32, #tpu.memory_space<hbm>>)
    %dma_wait3A_17 = arith.constant 0 : i32
    %dma_wait3A_18 = arith.constant 0 : i32
    %dma_wait3A_19 = tpu.memref_slice %arg8[%dma_wait3A_17, %dma_wait3A_18] : memref<80x608xf32, #tpu.memory_space<vmem>> -> memref<80x600xf32, #tpu.memory_space<vmem>>
    %dma_wait3A_20 = arith.constant 0 : i32
    %dma_wait3A_21 = arith.constant 0 : i32
    %dma_wait3A_22 = tpu.memref_slice %arg4[%dma_wait3A_20, %dma_wait3A_21] : memref<100000x600xf32, #tpu.memory_space<hbm>> -> memref<80x600xf32, #tpu.memory_space<hbm>>
    %dma_wait3A_23 = arith.constant 0 : i32
    %dma_wait3A_24 = arith.constant 0 : i32
    %dma_wait3A_25 = tpu.memref_slice %arg4[%dma_wait3A_23, %dma_wait3A_24] : memref<100000x600xf32, #tpu.memory_space<hbm>> -> memref<80x600xf32, #tpu.memory_space<hbm>>
    %dma_wait3A_26 = arith.constant 0 : i32
    %dma_wait3A_27 = arith.constant 0 : i32
    %dma_wait3A_28 = tpu.memref_slice %arg8[%dma_wait3A_26, %dma_wait3A_27] : memref<80x608xf32, #tpu.memory_space<vmem>> -> memref<80x600xf32, #tpu.memory_space<vmem>>
    tpu.wait_dma2 semaphore(%arg11 : memref<!tpu.dma_semaphore, #tpu.memory_space<semaphore_mem>>) src(%dma_wait3A_28 : memref<80x600xf32, #tpu.memory_space<vmem>>) dst(%dma_wait3A_25 : memref<80x600xf32, #tpu.memory_space<hbm>>)
    return
  }
}

module attributes {stable_mosaic.version = 14 : i64} {
  func.func @_dense_body(%arg0: memref<128xi32, #tpu.memory_space<smem>>, %arg1: memref<30000x300xf32, #tpu.memory_space<any>>, %arg2: memref<3072x300xf32, #tpu.memory_space<vmem>>, %arg3: memref<1x3072xf32, #tpu.memory_space<vmem>>, %arg4: memref<1x3072xf32, #tpu.memory_space<vmem>>, %arg5: memref<128x1xi32, #tpu.memory_space<vmem>>, %arg6: memref<150x300xf32, #tpu.memory_space<vmem>>, %arg7: memref<128x300xf32, #tpu.memory_space<vmem>>, %arg8: memref<1x128xf32, #tpu.memory_space<vmem>>, %arg9: memref<50x300xf32, #tpu.memory_space<vmem>>, %arg10: memref<128x1024xf32, #tpu.memory_space<vmem>>, %arg11: memref<150x128xf32, #tpu.memory_space<vmem>>, %arg12: memref<50x50x608xf32, #tpu.memory_space<vmem>>, %arg13: memref<128x300xf32, #tpu.memory_space<vmem>>, %arg14: memref<!tpu.dma_semaphore, #tpu.memory_space<semaphore_mem>>) attributes {dimension_semantics = [], scalar_prefetch = 0 : i64, scratch_operands = 2 : i64, tpu.core_type = #tpu.core_type<tc>} {
    %scan3A = arith.constant 0 : i32
    %scan3A_0 = arith.constant 128 : i32
    %scan3A_1 = arith.addi %scan3A, %scan3A_0 : i32
    %scan3A_2 = arith.constant 1 : i32
    scf.for %scan3A_94 = %scan3A to %scan3A_1 step %scan3A_2  : i32 {
      %get3A_95 = arith.index_cast %scan3A_94 : i32 to index
      %get3A_96 = memref.load %arg0[%get3A_95] : memref<128xi32, #tpu.memory_space<smem>>
      %dma_start3A = arith.constant 0 : i32
      %dma_start3A_97 = tpu.memref_slice %arg13[%scan3A_94, %dma_start3A] : memref<128x300xf32, #tpu.memory_space<vmem>> -> memref<1x300xf32, #tpu.memory_space<vmem>>
      %dma_start3A_98 = arith.constant 0 : i32
      %dma_start3A_99 = tpu.memref_slice %arg1[%get3A_96, %dma_start3A_98] : memref<30000x300xf32, #tpu.memory_space<any>> -> memref<1x300xf32, #tpu.memory_space<any>>
      tpu.enqueue_dma source(%dma_start3A_99 : memref<1x300xf32, #tpu.memory_space<any>>) target(%dma_start3A_97 : memref<1x300xf32, #tpu.memory_space<vmem>>) target_semaphore(%arg14 : memref<!tpu.dma_semaphore, #tpu.memory_space<semaphore_mem>>)
    }
    %scan3A_3 = arith.constant 128 : i32
    %scan3A_4 = arith.constant 0 : i32
    %scan3A_5 = arith.constant 128 : i32
    %scan3A_6 = arith.addi %scan3A_4, %scan3A_5 : i32
    %scan3A_7 = arith.constant 1 : i32
    scf.for %scan3A_94 = %scan3A_4 to %scan3A_6 step %scan3A_7  : i32 {
      %get3A_95 = arith.index_cast %scan3A_94 : i32 to index
      %get3A_96 = memref.load %arg0[%get3A_95] : memref<128xi32, #tpu.memory_space<smem>>
      %dma_wait3A = arith.constant 0 : i32
      %dma_wait3A_97 = tpu.memref_slice %arg13[%scan3A_94, %dma_wait3A] : memref<128x300xf32, #tpu.memory_space<vmem>> -> memref<1x300xf32, #tpu.memory_space<vmem>>
      %dma_wait3A_98 = arith.constant 0 : i32
      %dma_wait3A_99 = tpu.memref_slice %arg1[%get3A_96, %dma_wait3A_98] : memref<30000x300xf32, #tpu.memory_space<any>> -> memref<1x300xf32, #tpu.memory_space<any>>
      tpu.wait_dma2 semaphore(%arg14 : memref<!tpu.dma_semaphore, #tpu.memory_space<semaphore_mem>>) src(%dma_wait3A_99 : memref<1x300xf32, #tpu.memory_space<any>>) dst(%dma_wait3A_97 : memref<1x300xf32, #tpu.memory_space<vmem>>)
    }
    %scan3A_8 = arith.constant 128 : i32
    %get3A = arith.constant 0 : index
    %get3A_9 = arith.constant 0 : index
    %get3A_10 = vector.load %arg13[%get3A, %get3A_9] : memref<128x300xf32, #tpu.memory_space<vmem>>, vector<128x300xf32>
    %get3A_11 = arith.constant 0 : index
    %get3A_12 = arith.constant 0 : index
    %get3A_13 = vector.load %arg2[%get3A_11, %get3A_12] : memref<3072x300xf32, #tpu.memory_space<vmem>>, vector<3072x300xf32>
    %dot_general3A = arith.constant dense<0.000000e+00> : vector<128x3072xf32>
    %dot_general3A_14 = tpu.matmul %get3A_10, %get3A_13, %dot_general3A {dimension_numbers = #tpu.dot_dimension_numbers<[1], [1], [0], [0], [0, 0, 1, 0], [], []>, transpose_lhs_hint = false} : vector<128x300xf32>, vector<3072x300xf32>, vector<128x3072xf32> -> vector<128x3072xf32>
    %get3A_15 = arith.constant 0 : index
    %get3A_16 = arith.constant 0 : index
    %get3A_17 = vector.load %arg3[%get3A_15, %get3A_16] : memref<1x3072xf32, #tpu.memory_space<vmem>>, vector<1x3072xf32>
    %add3A = vector.broadcast %get3A_17 : vector<1x3072xf32> to vector<128x3072xf32>
    %add3A_18 = arith.addf %dot_general3A_14, %add3A : vector<128x3072xf32>
    %get3A_19 = arith.constant 0 : index
    %get3A_20 = arith.constant 0 : index
    %get3A_21 = vector.load %arg4[%get3A_19, %get3A_20] : memref<1x3072xf32, #tpu.memory_space<vmem>>, vector<1x3072xf32>
    %slice3A = vector.extract_strided_slice %add3A_18 {offsets = [0, 0], sizes = [128, 1024], strides = [1, 1]} : vector<128x3072xf32> to vector<128x1024xf32>
    %slice3A_22 = vector.extract_strided_slice %add3A_18 {offsets = [0, 1024], sizes = [128, 1024], strides = [1, 1]} : vector<128x3072xf32> to vector<128x1024xf32>
    %slice3A_23 = vector.extract_strided_slice %add3A_18 {offsets = [0, 2048], sizes = [128, 1024], strides = [1, 1]} : vector<128x3072xf32> to vector<128x1024xf32>
    %slice3A_24 = vector.extract_strided_slice %get3A_21 {offsets = [0, 0], sizes = [1, 1024], strides = [1, 1]} : vector<1x3072xf32> to vector<1x1024xf32>
    %slice3A_25 = vector.extract_strided_slice %get3A_21 {offsets = [0, 1024], sizes = [1, 1024], strides = [1, 1]} : vector<1x3072xf32> to vector<1x1024xf32>
    %slice3A_26 = vector.extract_strided_slice %get3A_21 {offsets = [0, 2048], sizes = [1, 1024], strides = [1, 1]} : vector<1x3072xf32> to vector<1x1024xf32>
    %add3A_27 = vector.broadcast %slice3A_24 : vector<1x1024xf32> to vector<128x1024xf32>
    %add3A_28 = arith.addf %slice3A, %add3A_27 : vector<128x1024xf32>
    %logistic3A = arith.negf %add3A_28 : vector<128x1024xf32>
    %logistic3A_29 = math.exp %logistic3A : vector<128x1024xf32>
    %logistic3A_30 = arith.constant 1.000000e+00 : f32
    %logistic3A_31 = vector.broadcast %logistic3A_30 : f32 to vector<128x1024xf32>
    %logistic3A_32 = arith.addf %logistic3A_31, %logistic3A_29 : vector<128x1024xf32>
    %logistic3A_33 = arith.divf %logistic3A_31, %logistic3A_32 : vector<128x1024xf32>
    %add3A_34 = vector.broadcast %slice3A_25 : vector<1x1024xf32> to vector<128x1024xf32>
    %add3A_35 = arith.addf %slice3A_22, %add3A_34 : vector<128x1024xf32>
    %logistic3A_36 = arith.negf %add3A_35 : vector<128x1024xf32>
    %logistic3A_37 = math.exp %logistic3A_36 : vector<128x1024xf32>
    %logistic3A_38 = arith.constant 1.000000e+00 : f32
    %logistic3A_39 = vector.broadcast %logistic3A_38 : f32 to vector<128x1024xf32>
    %logistic3A_40 = arith.addf %logistic3A_39, %logistic3A_37 : vector<128x1024xf32>
    %logistic3A_41 = arith.divf %logistic3A_39, %logistic3A_40 : vector<128x1024xf32>
    %mul3A = vector.broadcast %slice3A_26 : vector<1x1024xf32> to vector<128x1024xf32>
    %mul3A_42 = arith.mulf %logistic3A_33, %mul3A : vector<128x1024xf32>
    %add3A_43 = arith.addf %slice3A_23, %mul3A_42 : vector<128x1024xf32>
    %tanh3A = math.tanh %add3A_43 : vector<128x1024xf32>
    %sub3A = arith.constant 1.000000e+00 : f32
    %sub3A_44 = vector.broadcast %sub3A : f32 to vector<128x1024xf32>
    %sub3A_45 = arith.subf %sub3A_44, %logistic3A_41 : vector<128x1024xf32>
    %mul3A_46 = arith.mulf %sub3A_45, %tanh3A : vector<128x1024xf32>
    %get3A_47 = arith.constant 0 : index
    %get3A_48 = arith.constant 0 : index
    %get3A_49 = vector.load %arg5[%get3A_47, %get3A_48] : memref<128x1xi32, #tpu.memory_space<vmem>>, vector<128x1xi32>
    %gt3A = arith.constant 0 : i32
    %gt3A_50 = vector.broadcast %gt3A : i32 to vector<128x1xi32>
    %gt3A_51 = arith.cmpi sgt, %get3A_49, %gt3A_50 : vector<128x1xi32>
    %jit3A = arith.constant 0.000000e+00 : f32
    %broadcast_in_dim3A = vector.shape_cast %gt3A_51 : vector<128x1xi1> to vector<128x1xi1>
    %broadcast_in_dim3A_52 = vector.broadcast %broadcast_in_dim3A : vector<128x1xi1> to vector<128x1024xi1>
    %broadcast_in_dim3A_53 = vector.broadcast %jit3A : f32 to vector<128x1024xf32>
    %select_n3A = arith.select %broadcast_in_dim3A_52, %mul3A_46, %broadcast_in_dim3A_53 : vector<128x1024xi1>, vector<128x1024xf32>
    %mul3A_54 = arith.mulf %select_n3A, %select_n3A : vector<128x1024xf32>
    %reduce_sum3A = arith.constant dense<0.000000e+00> : vector<128xf32>
    %reduce_sum3A_55 = vector.multi_reduction <add>, %mul3A_54, %reduce_sum3A [1] : vector<128x1024xf32> to vector<128xf32>
    %broadcast_in_dim3A_56 = vector.shape_cast %reduce_sum3A_55 : vector<128xf32> to vector<128x1xf32>
    %sqrt3A = math.sqrt %broadcast_in_dim3A_56 : vector<128x1xf32>
    %add3A_57 = arith.constant 9.99999993E-9 : f32
    %add3A_58 = vector.broadcast %add3A_57 : f32 to vector<128x1xf32>
    %add3A_59 = arith.addf %sqrt3A, %add3A_58 : vector<128x1xf32>
    %div3A = vector.broadcast %add3A_59 : vector<128x1xf32> to vector<128x1024xf32>
    %div3A_60 = arith.divf %select_n3A, %div3A : vector<128x1024xf32>
    %swap3A = arith.constant 0 : index
    %swap3A_61 = arith.constant 0 : index
    %swap3A_62 = vector.load %arg10[%swap3A, %swap3A_61] : memref<128x1024xf32, #tpu.memory_space<vmem>>, vector<128x1024xf32>
    tpu.vector_store %arg10[%swap3A, %swap3A_61], %div3A_60 {strides = array<i32>} : memref<128x1024xf32, #tpu.memory_space<vmem>>, vector<128x1024xf32>,
    %get3A_63 = arith.constant 0 : index
    %get3A_64 = arith.constant 0 : index
    %get3A_65 = vector.load %arg6[%get3A_63, %get3A_64] : memref<150x300xf32, #tpu.memory_space<vmem>>, vector<150x300xf32>
    %get3A_66 = arith.constant 0 : index
    %get3A_67 = arith.constant 0 : index
    %get3A_68 = vector.load %arg7[%get3A_66, %get3A_67] : memref<128x300xf32, #tpu.memory_space<vmem>>, vector<128x300xf32>
    %dot_general3A_69 = arith.constant dense<0.000000e+00> : vector<150x128xf32>
    %dot_general3A_70 = tpu.matmul %get3A_65, %get3A_68, %dot_general3A_69 {dimension_numbers = #tpu.dot_dimension_numbers<[1], [1], [0], [0], [0, 0, 1, 0], [], []>, transpose_lhs_hint = false} : vector<150x300xf32>, vector<128x300xf32>, vector<150x128xf32> -> vector<150x128xf32>
    %get3A_71 = arith.constant 0 : index
    %get3A_72 = arith.constant 0 : index
    %get3A_73 = vector.load %arg8[%get3A_71, %get3A_72] : memref<1x128xf32, #tpu.memory_space<vmem>>, vector<1x128xf32>
    %add3A_74 = vector.broadcast %get3A_73 : vector<1x128xf32> to vector<150x128xf32>
    %add3A_75 = arith.addf %dot_general3A_70, %add3A_74 : vector<150x128xf32>
    %swap3A_76 = arith.constant 0 : index
    %swap3A_77 = arith.constant 0 : index
    %swap3A_78 = vector.load %arg11[%swap3A_76, %swap3A_77] : memref<150x128xf32, #tpu.memory_space<vmem>>, vector<150x128xf32>
    tpu.vector_store %arg11[%swap3A_76, %swap3A_77], %add3A_75 {strides = array<i32>} : memref<150x128xf32, #tpu.memory_space<vmem>>, vector<150x128xf32>,
    %get3A_79 = arith.constant 0 : index
    %get3A_80 = arith.constant 0 : index
    %get3A_81 = vector.load %arg9[%get3A_79, %get3A_80] : memref<50x300xf32, #tpu.memory_space<vmem>>, vector<50x300xf32>
    %broadcast_in_dim3A_82 = vector.shape_cast %get3A_81 : vector<50x300xf32> to vector<50x1x300xf32>
    %broadcast_in_dim3A_83 = vector.shape_cast %broadcast_in_dim3A_82 : vector<50x1x300xf32> to vector<50x1x300xf32>
    %broadcast_in_dim3A_84 = vector.broadcast %broadcast_in_dim3A_83 : vector<50x1x300xf32> to vector<50x50x300xf32>
    %broadcast_in_dim3A_85 = vector.shape_cast %get3A_81 : vector<50x300xf32> to vector<1x50x300xf32>
    %broadcast_in_dim3A_86 = vector.shape_cast %broadcast_in_dim3A_85 : vector<1x50x300xf32> to vector<1x50x300xf32>
    %broadcast_in_dim3A_87 = vector.broadcast %broadcast_in_dim3A_86 : vector<1x50x300xf32> to vector<50x50x300xf32>
    %broadcast_in_dim3A_88 = arith.constant 0.000000e+00 : f32
    %broadcast_in_dim3A_89 = vector.broadcast %broadcast_in_dim3A_88 : f32 to vector<50x50x8xf32>
    %concatenate3A = tpu.concatenate %broadcast_in_dim3A_84, %broadcast_in_dim3A_87, %broadcast_in_dim3A_89 in 2 : vector<50x50x300xf32>, vector<50x50x300xf32>, vector<50x50x8xf32> -> vector<50x50x608xf32>
    %swap3A_90 = arith.constant 0 : index
    %swap3A_91 = arith.constant 0 : index
    %swap3A_92 = arith.constant 0 : index
    %swap3A_93 = vector.load %arg12[%swap3A_90, %swap3A_91, %swap3A_92] : memref<50x50x608xf32, #tpu.memory_space<vmem>>, vector<50x50x608xf32>
    tpu.vector_store %arg12[%swap3A_90, %swap3A_91, %swap3A_92], %concatenate3A {strides = array<i32>} : memref<50x50x608xf32, #tpu.memory_space<vmem>>, vector<50x50x608xf32>,
    return
  }
}

</mosaic_0001>

<sc_bundles>
// kernel: kernel.5.cloned.1.call-start
scs
__scs_entry_jumppad:
0x0: {  	(pc) =	sbr.rel $0x88, $3  }
0x1: {  	(tag) =	ssettag $0x0;
	lr =	simm.s32 $0x1  }
0x2: {  	[smem:$0x3F95] =	sst lr;
	_ =	strace $0xD0000000  }
0x3: {  	_ = 	snop  }
0x4: {  	_ = 	snop  }
0x5: {  	_ = 	snop  }
0x6: {  	_ = 	snop  }
0x7: {  	_ = 	snop  }
__scs_overlays_trampoline_lowered:
0x8: {  	[smem:$0x3FA4] =	sst s0  }
0x9: {  	[smem:$0x3FA5] =	sst s1  }
0xa: {  	[smem:$0x3FA6] =	sst s2  }
0xb: {  	[smem:$0x3FA7] =	sst s3  }
0xc: {  	[smem:$0x3FA8] =	sst s4  }
0xd: {  	[smem:$0x3FA9] =	sst s5  }
0xe: {  	[smem:$0x3FAA] =	sst s6  }
0xf: {  	[smem:$0x3FAB] =	sst s7  }
0x10: {  	[smem:$0x3FAC] =	sst s8  }
0x11: {  	[smem:$0x3FAD] =	sst s9;
	s0 =	simm.s32 @!p0 $0x0  }
0x12: {  	s1 =	sld [smem:$0x3F93];
	s0 =	simm.s32 @p0 $0x1  }
0x13: {  	[smem:$0x3FAE] =	sst s0;
	s0 =	simm.s32 @!p1 $0x0  }
0x14: {  	s2 =	sld [smem:$0x3F92];
	s0 =	simm.s32 @p1 $0x1  }
0x15: {  	[smem:$0x3FAF] =	sst s0;
	s0 =	simm.s32 @!p2 $0x0  }
0x16: {  	s3 =	sld [smem:$0x3FDB];
	s0 =	simm.s32 @p2 $0x1  }
0x17: {  	s4 =	simm.s32 $0x1BF5;
	[smem:$0x3FB1] =	sst s0  }
0x18: {  	s0 =	sld [smem:$0x3F94];
	_ =	swait.ge [sflag:s4], $0x0  }
0x19: {  	s7 =	sld [smem:$0x3F95]  }
0x1a: {  	s8 =	sadd.s32 $0xFFFFE003, lr  }
0x1b: {  	s9 =	sadd.s32 $0xFFFFFEF7, lr;
	s5 =	simm.s32 $0xFFFFFFFF;
	p2 =	slt.u32 s8, $0xFFFFF086  }
0x1c: {  	p1 =	slt.u32 s9, $0xF7A;
	s5 =	simm.s32 @!p2 $0x0  }
0x1d: {  	s5 =	simm.s32 @p1 $0x1;
	p0 =	seq.s32 s7, s2  }
0x1e: {  	s7 =	smul.u32 @!p0 $0xF7A, s2;
	p2 =	seq.s32 @!p0 s5, $0x0  }
0x1f: {  	s9 =	smul.u32 $0xF7A, s1;
	s8 =	simm.s32 @!p0 $0x1BF5;
	p2 =	por !p2, p0  }
0x20: {  	[sflag:s8] =	ssyncset.s32 @!p0 $0xFFFFF086;
	s6 =	sadd.s32 @!p0 s3, s7;
	s7 =	simm.s32 @!p0 $0x108  }
0x21: {  	s3 =	sadd.s32 s3, s9;
	s6 =	sadd.s32 @!p0 $0x88, s6;
	s7 =	simm.s32 @p2 $0x1082  }
0x22: {  	[simem:s7], [sflag:s8] =	dma.local @!p0 [hbm:s6], $0xF7A  }
0x23: {  	s9 =	sor.u32 $0xD0000000, s2;
	s6 =	simm.s32 $0x108;
	_ =	swait.ge @!p0 [sflag:s8], $0x0  }
0x24: {  	s3 =	sadd.s32 $0x88, s3;
	s6 =	simm.s32 @!p1 $0x1082;
	[sflag:s4] =	ssyncset.s32 $0xFFFFF086  }
0x25: {  	[simem:s6], [sflag:s4] =	dma.local [hbm:s3], $0xF7A  }
0x26: {  	[smem:$0x3F95] =	sst s1;
	(tag) =	ssettag s2;
	_ =	strace s9  }
0x27: {  	s1 =	sld [smem:$0x3FA5]  }
0x28: {  	s2 =	sld [smem:$0x3FA6]  }
0x29: {  	s4 =	sld [smem:$0x3FA8]  }
0x2a: {  	p0 =	seq.s32 s5, $0x0;
	s5 =	sld [smem:$0x3FA9]  }
0x2b: {  	s6 =	sld [smem:$0x3FAA]  }
0x2c: {  	s7 =	sld [smem:$0x3FAB]  }
0x2d: {  	s3 =	simm.s32 $0x108;
	s8 =	sld [smem:$0x3FAC]  }
0x2e: {  	s3 =	simm.s32 @!p0 $0x1082;
	s9 =	sld [smem:$0x3FAD]  }
0x2f: {  	lr =	sadd.s32 s0, s3;
	s0 =	sld [smem:$0x3FA4]  }
0x30: {  	s3 =	sld [smem:$0x3FA7]  }
0x31: {  	[smem:$0x3FB0] =	sst s10  }
0x32: {  	s10 =	sld [smem:$0x3FAE];
	_ =	sdelay $0x3  }
0x33: {  	p0 =	seq.s32 s10, $0x1;
	s10 =	sld [smem:$0x3FB0];
	_ =	sdelay $0x3  }
0x34: {  	[smem:$0x3FB0] =	sst s10  }
0x35: {  	s10 =	sld [smem:$0x3FAF];
	_ =	sdelay $0x3  }
0x36: {  	p1 =	seq.s32 s10, $0x1;
	s10 =	sld [smem:$0x3FB0];
	_ =	sdelay $0x3  }
0x37: {  	[smem:$0x3FB0] =	sst s10  }
0x38: {  	s10 =	sld [smem:$0x3FB1]  }
0x39: {  	_ = 	snop;
	(pc) =	sbr.ind lr, $3  }
0x3a: {  	_ = 	snop  }
0x3b: {  	_ = 	snop  }
0x3c: {  	p2 =	seq.s32 s10, $0x1;
	s10 =	sld [smem:$0x3FB0]  }
0x3d: {  	_ =	shalt  }
0x3e: {  	_ =	shalt  }
0x3f: {  	_ =	shalt  }
0x40: {  	_ =	shalt  }
0x41: {  	_ =	shalt  }
0x42: {  	_ =	shalt  }
0x43: {  	_ =	shalt  }
0x44: {  	_ =	shalt  }
0x45: {  	_ =	shalt  }
0x46: {  	_ =	shalt  }
0x47: {  	_ =	shalt  }
0x48: {  	_ =	shalt  }
0x49: {  	_ =	shalt  }
0x4a: {  	_ =	shalt  }
0x4b: {  	_ =	shalt  }
0x4c: {  	_ =	shalt  }
0x4d: {  	_ =	shalt  }
0x4e: {  	_ =	shalt  }
0x4f: {  	_ =	shalt  }
0x50: {  	_ =	shalt  }
0x51: {  	_ =	shalt  }
0x52: {  	_ =	shalt  }
0x53: {  	_ =	shalt  }
0x54: {  	_ =	shalt  }
0x55: {  	_ =	shalt  }
0x56: {  	_ =	shalt  }
0x57: {  	_ =	shalt  }
0x58: {  	_ =	shalt  }
0x59: {  	_ =	shalt  }
0x5a: {  	_ =	shalt  }
0x5b: {  	_ =	shalt  }
0x5c: {  	_ =	shalt  }
0x5d: {  	_ =	shalt  }
0x5e: {  	_ =	shalt  }
0x5f: {  	_ =	shalt  }
0x60: {  	_ =	shalt  }
0x61: {  	_ =	shalt  }
0x62: {  	_ =	shalt  }
0x63: {  	_ =	shalt  }
0x64: {  	_ =	shalt  }
0x65: {  	_ =	shalt  }
0x66: {  	_ =	shalt  }
0x67: {  	_ =	shalt  }
0x68: {  	_ =	shalt  }
0x69: {  	_ =	shalt  }
0x6a: {  	_ =	shalt  }
0x6b: {  	_ =	shalt  }
0x6c: {  	_ =	shalt  }
0x6d: {  	_ =	shalt  }
0x6e: {  	_ =	shalt  }
0x6f: {  	_ =	shalt  }
0x70: {  	_ =	shalt  }
0x71: {  	_ =	shalt  }
0x72: {  	_ =	shalt  }
0x73: {  	_ =	shalt  }
0x74: {  	_ =	shalt  }
0x75: {  	_ =	shalt  }
0x76: {  	_ =	shalt  }
0x77: {  	_ =	shalt  }
0x78: {  	_ =	shalt  }
0x79: {  	_ =	shalt  }
0x7a: {  	_ =	shalt  }
0x7b: {  	_ =	shalt  }
0x7c: {  	_ =	shalt  }
0x7d: {  	_ =	shalt  }
0x7e: {  	_ =	shalt  }
0x7f: {  	_ =	shalt  }
0x80: {  	_ =	shalt  }
0x81: {  	_ =	shalt  }
0x82: {  	_ =	shalt  }
0x83: {  	_ =	shalt  }
0x84: {  	_ =	shalt  }
0x85: {  	_ =	shalt  }
0x86: {  	_ =	shalt  }
0x87: {  	_ =	shalt  }
.Lfunc_end0:
.L_simem_size_0:
called_computation.1_lowered:
.L_overlay_start_0:
0x88: {  	s2 =	sld [smem:$0x3FD9]  }
0x89: {  	s3 =	sld [smem:$0x3FFE];
	_ =	sdelay $0x1  }
0x8a: {  	s1 =	srdreg.scid  }
0x8b: {  	s0 =	sand.u32 $0x1, s1  }
0x8c: {  	s14 =	sshll.u32 s0, $0xA;
	s2 =	sadd.s32 s3, s2  }
0x8d: {  	s2 =	sadd.s32 s2, s14  }
0x8e: {  	[smem:$0x3FBC] =	sst s2  }
0x8f: {  	_ = 	snop  }
0x90: {  	s2 =	sld [smem:$0x3FD0];
	_ =	sdelay $0x2  }
0x91: {  	s15 =	simm.s32 $0xB;
	s4 =	simm.s32 $0x10  }
0x92: {  	[smem:s4], [sflag:s15] =	dma.local [hbm:s2], $0x1  }
0x93: {  	_ =	swait.eq [sflag:s15], $0x1  }
0x94: {  	[sflag:s15] =	ssyncset.done $0x0  }
0x95: {  	[sflag:s15] =	ssyncadd.s32 $0xFFFFFFFF  }
0x96: {  	s16 =	sld [smem:$0x13];
	(tm) =	ssettm $0x1  }
0x97: {  	s17 =	sld [smem:$0x3FFB];
	_ =	sdelay $0x3  }
0x98: {  	_ =	strace s17  }
0x99: {  	s3 =	sld [smem:$0x3FFC];
	_ =	sdelay $0x3  }
0x9a: {  	_ =	strace s3  }
0x9b: {  	s3 =	sld [smem:$0x3FFD];
	_ =	sdelay $0x3  }
0x9c: {  	_ =	strace s3  }
0x9d: {  	_ =	strace $0x8FFFFFFF  }
0x9e: {  	s18 =	sld [smem:$0x3FDB];
	_ =	sdelay $0x1  }
0x9f: {  	s19 =	simm.s32 $_scs_section_size  }
0xa0: {  	s5 =	simm.s32 $_size__tile_overlayer_lowered;
	s6 =	simm.s32 $_tile_overlayer_lowered  }
0xa1: {  	s22 =	simm.s32 $0x1BFF;
	s21 =	sshll.u32 s6, $0x1;
	s3 =	sadd.s32 s19, s18  }
0xa2: {  	s7 =	simm.s32 $0x0;
	s20 =	sshll.u32 s5, $0x1;
	s5 =	sadd.s32 s21, s3  }
0xa3: {  	[timem:s7], [sflag:s22] =	dma.local [hbm:s5], s20  }
0xa4: {  	_ =	swait.ge [sflag:s22], s20  }
0xa5: {  	s4 =	ssub.s32 $0x0, s20;
	[sflag:s22] =	ssyncset.done $0x0  }
0xa6: {  	[sflag:s22] =	ssyncadd.s32 s4;
	_ =	sdelay $0x1  }
0xa7: {  	s23 =	simm.s32 $0x1B8B  }
0xa8: {  	_ =	swait.ge [sflag:s23], $0x1  }
0xa9: {  	[sflag:s23] =	ssyncset.done $0x0  }
0xaa: {  	s25 =	simm.s32 $0x1B8E;
	s24 =	sld [smem:$0x3FFE];
	[sflag:s23] =	ssyncadd.s32 $0xFFFFFFFF  }
0xab: {  	s26 =	simm.s32 $execute0_lowered;
	[smem:$0x3FD2] =	sst s25  }
0xac: {  	s5 =	sshll.u32 s26, $0x1;
	_ =	strace $0x80000046;
	[dreg:$0x1] =	wrdreg $0xFFFFFFFF  }
0xad: {  	s28 =	simm.s32 $_size_execute0_lowered;
	s3 =	sadd.s32 s3, s5;
	[dreg:$0x0] =	wrdreg $0x0  }
0xae: {  	s5 =	sshll.u32 s28, $0x1;
	[dreg:$0x2] =	wrdreg s3  }
0xaf: {  	[dreg:$0x3] =	wrdreg s5  }
0xb0: {  	[dreg:$0x4] =	wrdreg $0xC0  }
0xb1: {  	_ =	task [dreg:s7], $0x5FFFF  }
0xb2: {  	[dreg:$0x1] =	wrdreg $0xFFFFFFFF  }
0xb3: {  	[dreg:$0x0] =	wrdreg $0x60  }
0xb4: {  	[dreg:$0x2] =	wrdreg s24  }
0xb5: {  	[dreg:$0x3] =	wrdreg s16  }
0xb6: {  	[dreg:$0x4] =	wrdreg $0xA  }
0xb7: {  	_ =	task.clear_ibuf [dreg:s7], $0x5FFFF;
	_ =	strace $0x90000046  }
0xb8: {  	s29 =	simm.s32 $0xA;
	_ =	strace $0x80000048  }
0xb9: {  	_ =	swait.ge [sflag:s29], $0x1  }
0xba: {  	[sflag:s29] =	ssyncadd.s32 $0xFFFFFFFF  }
0xbb: {  	_ =	strace $0x90000048  }
0xbc: {  	_ =	sfence  }
0xbd: {  	s30 =	sld [smem:$0x0];
	_ =	sdelay $0x2  }
0xbe: {  	s31 =	sshll.u32 s1, $0xD;
	s1 =	sshrl.u32 s1, $0x2  }
0xbf: {  	s3 =	sand.u32 $0x4000, s31;
	s1 =	sadd.s32 s1, s30  }
0xc0: {  	s0 =	sor.u32 s3, s0;
	s1 =	sshll.u32 s1, $0x11  }
0xc1: {  	s0 =	sor.u32 s1, s0  }
0xc2: {  	s0 =	sadd.s32 $0x8F2B, s0  }
0xc3: {  	[sflag:s0] =	ssyncadd.remote.s32 $0x1  }
0xc4: {  	_ =	sfence.sel $0xFFFF  }
0xc5: {  	[dreg:$0x0] =	wrdreg $0xFFFFFFFF;
	(pc) =	sbr.abs _section_cstart, $3  }
0xc6: {  	[dreg:$0x1] =	wrdreg $0xFFFFFFFF  }
0xc7: {  	_ =	task.clear_ibuf [dreg:s7], $0x2FFFF;
	_ =	strace $0x9FFFFFFF  }
0xc8: {  	(tm) =	ssettm $0x7FFFFFFF  }
0xc9: {  	_ =	shalt  }
tec
execute0_lowered:
.L_overlay_start_1:
0x0: {  	(tag) =	ssettag $0x1  }
0x1: {  	s4 =	rddreg [dreg:$0x0]  }
0x2: {  	s1 =	rddreg [dreg:$0x1];
	s3 =	srdreg.scid  }
0x3: {  	s0 =	rddreg [dreg:$0x2];
	s2 =	simm.s32 $0x0;
	s9 =	simm.s32 $0x4  }
0x4: {  	v0 =	vlaneseq.u32;
	s10 =	simm.s32 $0x50;
	s11 =	simm.s32 $0xA0;
	s12 =	simm.s32 $0x1  }
.Ltmp0:
0x5: {  	s13 =	simm.s32 $0x2;
	s3 =	sand.u32 $0x1, s3;
	v0 =	vmul.u32 $0x2, v0;
	(pc) =	sbr.rel .LBB2_1-.Ltmp0, $4  }
0x6: {  	s14 =	simm.s32 $0x3;
	s15 =	simm.s32 $0x0;
	s7 =	ssub.s32 $0x2, s3  }
0x7: {  	[smem:$0x7FF] =	sst s2;
	s5 =	sadd.s32 $0x31400, s4;
	s8 =	sshrl.u32 s7, $0x1;
	v1 =	vor.u32 $0x1, v0;
	v2 =	vor.u32 $0x20, v0;
	v3 =	vor.u32 $0x21, v0  }
0x8: {  	s6 =	sadd.s32 $0x2C00, s4;
	s4 =	stileid.u32;
	v4 =	vor.u32 $0x40, v0;
	v5 =	vor.u32 $0x41, v0;
	v6 =	vor.u32 $0x60, v0;
	s8 =	ssub.s32 s7, s8  }
0x9: {  	_ =	strace $0x80000047;
	v7 =	vor.u32 $0x61, v0;
	v8 =	vor.u32 $0x80, v0;
	v9 =	vor.u32 $0x81, v0;
	s7 =	sshll.u32 s4, $0x1;
	s8 =	smax.u32 s8, $0x1  }
.LBB2_9:
0xa: {  	s15 =	sadd.s32 $0x1, s15  }
0xb: {  	_ =	swait.ge [sflag:s13], $0xBB80;
	p0 =	sne.s32 s15, s8  }
.Ltmp1:
0xc: {  	[sflag:s13] =	ssyncset.done $0x0;
	(pc) =	sbr.rel @!p0 .LBB2_10-.Ltmp1, $4  }
0xd: {  	[sflag:s13] =	ssyncadd.s32 $0xFFFF4480  }
0xe: {  	_ =	swait.ge [sflag:s14], $0xBB80  }
0xf: {  	[sflag:s14] =	ssyncset.done $0x0  }
0x10: {  	[sflag:s14] =	ssyncadd.s32 $0xFFFF4480  }
.LBB2_1:
.Ltmp2:
0x11: {  	(pc) =	sbr.rel .LBB2_2-.Ltmp2, $2  }
0x12: {  	_ =	sdelay $0x2  }
0x13: {  	s16 =	simm.s32 $0x0  }
.LBB2_8:
0x14: {  	s16 =	sadd.s32 $0x1, s16  }
0x15: {  	p0 =	sne.s32 s16, $0x14  }
.Ltmp3:
0x16: {  	_ = 	snop;
	(pc) =	sbr.rel @!p0 .LBB2_9-.Ltmp3, $1  }
0x17: {  	_ =	sdelay $0x3  }
.LBB2_2:
0x18: {  	s17 =	sshll.u32 s16, $0x6  }
0x19: {  	s17 =	sor.u32 s17, s7  }
0x1a: {  	s17 =	sor.u32 s3, s17  }
0x1b: {  	s18 =	smul.u32 $0x14, s17;
	_ =	sdelay $0x1  }
0x1c: {  	s18 =	sadd.s32 s5, s18  }
0x1d: {  	[tilespmem:s2], [sflag:$0x4] =	stream.linear.gather [hbm4b:s18+s2], $0xA0, $0x38;
	[tilespmem:$0x17CF0] =	vst v63  }
0x1e: {  	_ =	swait.ge [sflag:s9], $0xA0  }
0x1f: {  	[sflag:s9] =	ssyncset.done $0x0  }
0x20: {  	[sflag:s9] =	ssyncadd.s32 $0xFFFFFF60  }
0x21: {  	v10 =	vld.idx.msk [tilespmem:v0+s2+$0x0], $0xffff;
	_ =	sdelay $0x1  }
0x22: {  	v11 =	vld.idx.msk [tilespmem:v1+s2+$0x0], $0xffff;
	_ =	sdelay $0x2  }
0x23: {  	v10 =	vmul.u32 $0x32, v10;
	_ =	sdelay $0x1  }
0x24: {  	v10 =	vadd.s32 v11, v10  }
0x25: {  	[tilespmem:$0xA0] =	vst v10  }
0x26: {  	v10 =	vld.idx.msk [tilespmem:v2+s2+$0x0], $0xffff;
	_ =	sdelay $0x1  }
0x27: {  	v11 =	vld.idx.msk [tilespmem:v3+s2+$0x0], $0xffff;
	_ =	sdelay $0x2  }
0x28: {  	v10 =	vmul.u32 $0x32, v10;
	_ =	sdelay $0x1  }
0x29: {  	v10 =	vadd.s32 v11, v10  }
0x2a: {  	[tilespmem:$0xB0] =	vst v10  }
0x2b: {  	v10 =	vld.idx.msk [tilespmem:v4+s2+$0x0], $0xffff;
	_ =	sdelay $0x1  }
0x2c: {  	v11 =	vld.idx.msk [tilespmem:v5+s2+$0x0], $0xffff;
	_ =	sdelay $0x2  }
0x2d: {  	v10 =	vmul.u32 $0x32, v10;
	_ =	sdelay $0x1  }
0x2e: {  	v10 =	vadd.s32 v11, v10  }
0x2f: {  	[tilespmem:$0xC0] =	vst v10  }
0x30: {  	v10 =	vld.idx.msk [tilespmem:v6+s2+$0x0], $0xffff;
	_ =	sdelay $0x1  }
0x31: {  	v11 =	vld.idx.msk [tilespmem:v7+s2+$0x0], $0xffff;
	_ =	sdelay $0x2  }
0x32: {  	v10 =	vmul.u32 $0x32, v10;
	_ =	sdelay $0x1  }
0x33: {  	v10 =	vadd.s32 v11, v10  }
0x34: {  	[tilespmem:$0xD0] =	vst v10  }
0x35: {  	v10 =	vld.idx.msk [tilespmem:v8+s2+$0x0], $0xffff;
	_ =	sdelay $0x1  }
0x36: {  	v11 =	vld.idx.msk [tilespmem:v9+s2+$0x0], $0xffff;
	_ =	sdelay $0x2  }
0x37: {  	v10 =	vmul.u32 $0x32, v10;
	_ =	sdelay $0x1  }
0x38: {  	p0 =	seq.s32 s16, $0x0;
	v10 =	vadd.s32 v11, v10  }
0x39: {  	s18 =	simm.s32 @!p0 $0x2;
	[tilespmem:$0xE0] =	vst v10  }
0x3a: {  	_ =	swait.ge @!p0 [sflag:s18], $0xBB80  }
0x3b: {  	[sflag:s18] =	ssyncset.done @!p0 $0x0  }
0x3c: {  	s19 =	smul.u32 $0x1770, s17;
	[sflag:s18] =	ssyncadd.s32 @!p0 $0xFFFF4480;
	s18 =	simm.s32 $0xF0  }
0x3d: {  	[tilespmem:s18], [sflag:$0x1] =	stream.indirect.gather [hbm4b:s6+s10], $0x260, s11, s10, $0xb8;
	[tilespmem:$0x17CF0] =	vst v63  }
0x3e: {  	_ =	swait.ge [sflag:s12], $0xBE00  }
0x3f: {  	s20 =	simm.s32 $0x4B;
	s19 =	sadd.s32 s1, s19;
	[sflag:s12] =	ssyncset.done $0x0  }
0x40: {  	s21 =	simm.s32 $0x350;
	s22 =	sadd.s32 $0x0, s19;
	[sflag:s12] =	ssyncadd.s32 $0xFFFF4200  }
.LBB2_3:
0x41: {  	[hbm4b:s22+s2] =	stream.linear.scatter [tilespmem:s18], [sflag:$0x2], $0x258, $0x38;
	[tilespmem:$0x17CF0] =	vst v63  }
0x42: {  	s22 =	smov.u32 s20;
	s18 =	smov.u32 s21;
	p1 =	sne.s32 s20, $0x1725  }
.Ltmp4:
0x43: {  	s20 =	sadd.s32 $0x4B, s20;
	(pc) =	sbr.rel @p1 .LBB2_3-.Ltmp4, $2  }
0x44: {  	_ =	sdelay $0x2  }
0x45: {  	s21 =	sadd.s32 $0x260, s21;
	s22 =	sadd.s32 s22, s19  }
0x46: {  	s17 =	sor.u32 $0x20, s17  }
0x47: {  	p1 =	sgt.u32 s17, $0x4E1  }
.Ltmp5:
0x48: {  	_ = 	snop;
	(pc) =	sbr.rel @p1 .LBB2_8-.Ltmp5, $2  }
0x49: {  	_ =	sdelay $0x2  }
0x4a: {  	[hbm4b:s22+s2] =	stream.linear.scatter [tilespmem:s18], [sflag:$0x2], $0x258, $0x38;
	[tilespmem:$0x17CF0] =	vst v63  }
0x4b: {  	s18 =	smul.u32 $0x14, s17;
	_ =	sdelay $0x1  }
0x4c: {  	s18 =	sadd.s32 s5, s18  }
0x4d: {  	[tilespmem:s2], [sflag:$0x4] =	stream.linear.gather [hbm4b:s18+s2], $0xA0, $0x38;
	[tilespmem:$0x17CF0] =	vst v63  }
0x4e: {  	_ =	swait.ge [sflag:s9], $0xA0  }
0x4f: {  	[sflag:s9] =	ssyncset.done $0x0  }
0x50: {  	[sflag:s9] =	ssyncadd.s32 $0xFFFFFF60  }
0x51: {  	v10 =	vld.idx.msk [tilespmem:v0+s2+$0x0], $0xffff;
	_ =	sdelay $0x1  }
0x52: {  	v11 =	vld.idx.msk [tilespmem:v1+s2+$0x0], $0xffff;
	_ =	sdelay $0x2  }
0x53: {  	v10 =	vmul.u32 $0x32, v10;
	_ =	sdelay $0x1  }
0x54: {  	v10 =	vadd.s32 v11, v10  }
0x55: {  	[tilespmem:$0xA0] =	vst v10  }
0x56: {  	v10 =	vld.idx.msk [tilespmem:v2+s2+$0x0], $0xffff;
	_ =	sdelay $0x1  }
0x57: {  	v11 =	vld.idx.msk [tilespmem:v3+s2+$0x0], $0xffff;
	_ =	sdelay $0x2  }
0x58: {  	v10 =	vmul.u32 $0x32, v10;
	_ =	sdelay $0x1  }
0x59: {  	v10 =	vadd.s32 v11, v10  }
0x5a: {  	[tilespmem:$0xB0] =	vst v10  }
0x5b: {  	v10 =	vld.idx.msk [tilespmem:v4+s2+$0x0], $0xffff;
	_ =	sdelay $0x1  }
0x5c: {  	v11 =	vld.idx.msk [tilespmem:v5+s2+$0x0], $0xffff;
	_ =	sdelay $0x2  }
0x5d: {  	v10 =	vmul.u32 $0x32, v10;
	_ =	sdelay $0x1  }
0x5e: {  	v10 =	vadd.s32 v11, v10  }
0x5f: {  	[tilespmem:$0xC0] =	vst v10  }
0x60: {  	v10 =	vld.idx.msk [tilespmem:v6+s2+$0x0], $0xffff;
	_ =	sdelay $0x1  }
0x61: {  	v11 =	vld.idx.msk [tilespmem:v7+s2+$0x0], $0xffff;
	_ =	sdelay $0x2  }
0x62: {  	v10 =	vmul.u32 $0x32, v10;
	_ =	sdelay $0x1  }
0x63: {  	v10 =	vadd.s32 v11, v10  }
0x64: {  	[tilespmem:$0xD0] =	vst v10  }
0x65: {  	v10 =	vld.idx.msk [tilespmem:v8+s2+$0x0], $0xffff;
	_ =	sdelay $0x1  }
0x66: {  	v11 =	vld.idx.msk [tilespmem:v9+s2+$0x0], $0xffff;
	_ =	sdelay $0x2  }
0x67: {  	v10 =	vmul.u32 $0x32, v10;
	_ =	sdelay $0x1  }
0x68: {  	v10 =	vadd.s32 v11, v10  }
0x69: {  	s18 =	simm.s32 @!p0 $0x3;
	[tilespmem:$0xE0] =	vst v10  }
0x6a: {  	_ =	swait.ge @!p0 [sflag:s18], $0xBB80  }
0x6b: {  	[sflag:s18] =	ssyncset.done @!p0 $0x0  }
0x6c: {  	s31 =	smul.u32 $0x1770, s17;
	[sflag:s18] =	ssyncadd.s32 @!p0 $0xFFFF4480;
	s18 =	simm.s32 $0xBEF0  }
0x6d: {  	[tilespmem:s18], [sflag:$0x1] =	stream.indirect.gather [hbm4b:s6+s10], $0x260, s11, s10, $0xb8;
	[tilespmem:$0x17CF0] =	vst v63  }
0x6e: {  	_ =	swait.ge [sflag:s12], $0xBE00  }
0x6f: {  	s19 =	simm.s32 $0x4B;
	s17 =	sadd.s32 s1, s31;
	[sflag:s12] =	ssyncset.done $0x0  }
0x70: {  	s20 =	simm.s32 $0xC150;
	s21 =	sadd.s32 $0x0, s17;
	[sflag:s12] =	ssyncadd.s32 $0xFFFF4200  }
.LBB2_6:
0x71: {  	[hbm4b:s21+s2] =	stream.linear.scatter [tilespmem:s18], [sflag:$0x3], $0x258, $0x38;
	[tilespmem:$0x17CF0] =	vst v63  }
0x72: {  	s21 =	smov.u32 s19;
	s18 =	smov.u32 s20;
	p0 =	sne.s32 s19, $0x1725  }
.Ltmp6:
0x73: {  	s19 =	sadd.s32 $0x4B, s19;
	(pc) =	sbr.rel @p0 .LBB2_6-.Ltmp6, $2  }
0x74: {  	_ =	sdelay $0x2  }
0x75: {  	s20 =	sadd.s32 $0x260, s20;
	s21 =	sadd.s32 s21, s17  }
.Ltmp7:
0x76: {  	(pc) =	sbr.rel .LBB2_8-.Ltmp7, $2  }
0x77: {  	_ =	sdelay $0x2  }
0x78: {  	[hbm4b:s21+s2] =	stream.linear.scatter [tilespmem:s18], [sflag:$0x3], $0x258, $0x38;
	[tilespmem:$0x17CF0] =	vst v63  }
.LBB2_10:
0x79: {  	_ =	sfence.sel $0x180000  }
0x7a: {  	[bflag:$0x0] =	sbarrier.arrive $0xFFFF  }
0x7b: {  	p0 =	sne.s32 s4, $0x0;
	_ =	strace $0x90000047  }
0x7c: {  	s0 =	sadd.s32 @!p0 $0x100000, s0;
	[bflag:$0x2] =	sbarrier.arrive $0xFFFF  }
0x7d: {  	[sflag:s0] =	ssyncadd.tile.s32 @!p0 $0x1;
	_ =	shalt  }
.Lfunc_end2:
_tile_overlayer_lowered:
.L_overlay_start_2:
0x7e: {  	(tag) =	ssettag $0x2  }
0x7f: {  	s0 =	rddreg [dreg:$0x0];
	s2 =	stileid.u32  }
0x80: {  	s1 =	rddreg [dreg:$0x1];
	p0 =	sne.s32 s2, $0x0  }
0x81: {  	s3 =	rddreg [dreg:$0x2];
	[bflag:$0x3] =	sbarrier.arrive $0xFFFF;
	s2 =	simm.s32 @!p0 $0x1C04  }
0x82: {  	[timem:s3], [sflag:s2] =	dma.local @!p0 [hbm:s0], s1  }
0x83: {  	s0 =	simm.s32 @!p0 $0x4  }
0x84: {  	_ =	swait.ge @!p0 [sflag:s0], s1  }
0x85: {  	s1 =	ssub.s32 @!p0 $0x0, s1;
	[sflag:s0] =	ssyncset.done @!p0 $0x0  }
0x86: {  	[sflag:s0] =	ssyncadd.s32 @!p0 s1  }
0x87: {  	[bflag:$0x3] =	sbarrier.arrive $0xFFFF  }
0x88: {  	_ =	shalt  }

// kernel: kernel.8.cloned.1.call-start
scs
__scs_entry_jumppad:
0x0: {  	(pc) =	sbr.rel $0x88, $3  }
0x1: {  	(tag) =	ssettag $0x0;
	lr =	simm.s32 $0x1  }
0x2: {  	[smem:$0x3F95] =	sst lr;
	_ =	strace $0xD0000000  }
0x3: {  	_ = 	snop  }
0x4: {  	_ = 	snop  }
0x5: {  	_ = 	snop  }
0x6: {  	_ = 	snop  }
0x7: {  	_ = 	snop  }
__scs_overlays_trampoline_lowered:
0x8: {  	[smem:$0x3FA4] =	sst s0  }
0x9: {  	[smem:$0x3FA5] =	sst s1  }
0xa: {  	[smem:$0x3FA6] =	sst s2  }
0xb: {  	[smem:$0x3FA7] =	sst s3  }
0xc: {  	[smem:$0x3FA8] =	sst s4  }
0xd: {  	[smem:$0x3FA9] =	sst s5  }
0xe: {  	[smem:$0x3FAA] =	sst s6  }
0xf: {  	[smem:$0x3FAB] =	sst s7  }
0x10: {  	[smem:$0x3FAC] =	sst s8  }
0x11: {  	[smem:$0x3FAD] =	sst s9;
	s0 =	simm.s32 @!p0 $0x0  }
0x12: {  	s1 =	sld [smem:$0x3F93];
	s0 =	simm.s32 @p0 $0x1  }
0x13: {  	[smem:$0x3FAE] =	sst s0;
	s0 =	simm.s32 @!p1 $0x0  }
0x14: {  	s2 =	sld [smem:$0x3F92];
	s0 =	simm.s32 @p1 $0x1  }
0x15: {  	[smem:$0x3FAF] =	sst s0;
	s0 =	simm.s32 @!p2 $0x0  }
0x16: {  	s3 =	sld [smem:$0x3FDB];
	s0 =	simm.s32 @p2 $0x1  }
0x17: {  	s4 =	simm.s32 $0x1BF5;
	[smem:$0x3FB1] =	sst s0  }
0x18: {  	s0 =	sld [smem:$0x3F94];
	_ =	swait.ge [sflag:s4], $0x0  }
0x19: {  	s7 =	sld [smem:$0x3F95]  }
0x1a: {  	s8 =	sadd.s32 $0xFFFFE003, lr  }
0x1b: {  	s9 =	sadd.s32 $0xFFFFFEF7, lr;
	s5 =	simm.s32 $0xFFFFFFFF;
	p2 =	slt.u32 s8, $0xFFFFF086  }
0x1c: {  	p1 =	slt.u32 s9, $0xF7A;
	s5 =	simm.s32 @!p2 $0x0  }
0x1d: {  	s5 =	simm.s32 @p1 $0x1;
	p0 =	seq.s32 s7, s2  }
0x1e: {  	s7 =	smul.u32 @!p0 $0xF7A, s2;
	p2 =	seq.s32 @!p0 s5, $0x0  }
0x1f: {  	s9 =	smul.u32 $0xF7A, s1;
	s8 =	simm.s32 @!p0 $0x1BF5;
	p2 =	por !p2, p0  }
0x20: {  	[sflag:s8] =	ssyncset.s32 @!p0 $0xFFFFF086;
	s6 =	sadd.s32 @!p0 s3, s7;
	s7 =	simm.s32 @!p0 $0x108  }
0x21: {  	s3 =	sadd.s32 s3, s9;
	s6 =	sadd.s32 @!p0 $0x88, s6;
	s7 =	simm.s32 @p2 $0x1082  }
0x22: {  	[simem:s7], [sflag:s8] =	dma.local @!p0 [hbm:s6], $0xF7A  }
0x23: {  	s9 =	sor.u32 $0xD0000000, s2;
	s6 =	simm.s32 $0x108;
	_ =	swait.ge @!p0 [sflag:s8], $0x0  }
0x24: {  	s3 =	sadd.s32 $0x88, s3;
	s6 =	simm.s32 @!p1 $0x1082;
	[sflag:s4] =	ssyncset.s32 $0xFFFFF086  }
0x25: {  	[simem:s6], [sflag:s4] =	dma.local [hbm:s3], $0xF7A  }
0x26: {  	[smem:$0x3F95] =	sst s1;
	(tag) =	ssettag s2;
	_ =	strace s9  }
0x27: {  	s1 =	sld [smem:$0x3FA5]  }
0x28: {  	s2 =	sld [smem:$0x3FA6]  }
0x29: {  	s4 =	sld [smem:$0x3FA8]  }
0x2a: {  	p0 =	seq.s32 s5, $0x0;
	s5 =	sld [smem:$0x3FA9]  }
0x2b: {  	s6 =	sld [smem:$0x3FAA]  }
0x2c: {  	s7 =	sld [smem:$0x3FAB]  }
0x2d: {  	s3 =	simm.s32 $0x108;
	s8 =	sld [smem:$0x3FAC]  }
0x2e: {  	s3 =	simm.s32 @!p0 $0x1082;
	s9 =	sld [smem:$0x3FAD]  }
0x2f: {  	lr =	sadd.s32 s0, s3;
	s0 =	sld [smem:$0x3FA4]  }
0x30: {  	s3 =	sld [smem:$0x3FA7]  }
0x31: {  	[smem:$0x3FB0] =	sst s10  }
0x32: {  	s10 =	sld [smem:$0x3FAE];
	_ =	sdelay $0x3  }
0x33: {  	p0 =	seq.s32 s10, $0x1;
	s10 =	sld [smem:$0x3FB0];
	_ =	sdelay $0x3  }
0x34: {  	[smem:$0x3FB0] =	sst s10  }
0x35: {  	s10 =	sld [smem:$0x3FAF];
	_ =	sdelay $0x3  }
0x36: {  	p1 =	seq.s32 s10, $0x1;
	s10 =	sld [smem:$0x3FB0];
	_ =	sdelay $0x3  }
0x37: {  	[smem:$0x3FB0] =	sst s10  }
0x38: {  	s10 =	sld [smem:$0x3FB1]  }
0x39: {  	_ = 	snop;
	(pc) =	sbr.ind lr, $3  }
0x3a: {  	_ = 	snop  }
0x3b: {  	_ = 	snop  }
0x3c: {  	p2 =	seq.s32 s10, $0x1;
	s10 =	sld [smem:$0x3FB0]  }
0x3d: {  	_ =	shalt  }
0x3e: {  	_ =	shalt  }
0x3f: {  	_ =	shalt  }
0x40: {  	_ =	shalt  }
0x41: {  	_ =	shalt  }
0x42: {  	_ =	shalt  }
0x43: {  	_ =	shalt  }
0x44: {  	_ =	shalt  }
0x45: {  	_ =	shalt  }
0x46: {  	_ =	shalt  }
0x47: {  	_ =	shalt  }
0x48: {  	_ =	shalt  }
0x49: {  	_ =	shalt  }
0x4a: {  	_ =	shalt  }
0x4b: {  	_ =	shalt  }
0x4c: {  	_ =	shalt  }
0x4d: {  	_ =	shalt  }
0x4e: {  	_ =	shalt  }
0x4f: {  	_ =	shalt  }
0x50: {  	_ =	shalt  }
0x51: {  	_ =	shalt  }
0x52: {  	_ =	shalt  }
0x53: {  	_ =	shalt  }
0x54: {  	_ =	shalt  }
0x55: {  	_ =	shalt  }
0x56: {  	_ =	shalt  }
0x57: {  	_ =	shalt  }
0x58: {  	_ =	shalt  }
0x59: {  	_ =	shalt  }
0x5a: {  	_ =	shalt  }
0x5b: {  	_ =	shalt  }
0x5c: {  	_ =	shalt  }
0x5d: {  	_ =	shalt  }
0x5e: {  	_ =	shalt  }
0x5f: {  	_ =	shalt  }
0x60: {  	_ =	shalt  }
0x61: {  	_ =	shalt  }
0x62: {  	_ =	shalt  }
0x63: {  	_ =	shalt  }
0x64: {  	_ =	shalt  }
0x65: {  	_ =	shalt  }
0x66: {  	_ =	shalt  }
0x67: {  	_ =	shalt  }
0x68: {  	_ =	shalt  }
0x69: {  	_ =	shalt  }
0x6a: {  	_ =	shalt  }
0x6b: {  	_ =	shalt  }
0x6c: {  	_ =	shalt  }
0x6d: {  	_ =	shalt  }
0x6e: {  	_ =	shalt  }
0x6f: {  	_ =	shalt  }
0x70: {  	_ =	shalt  }
0x71: {  	_ =	shalt  }
0x72: {  	_ =	shalt  }
0x73: {  	_ =	shalt  }
0x74: {  	_ =	shalt  }
0x75: {  	_ =	shalt  }
0x76: {  	_ =	shalt  }
0x77: {  	_ =	shalt  }
0x78: {  	_ =	shalt  }
0x79: {  	_ =	shalt  }
0x7a: {  	_ =	shalt  }
0x7b: {  	_ =	shalt  }
0x7c: {  	_ =	shalt  }
0x7d: {  	_ =	shalt  }
0x7e: {  	_ =	shalt  }
0x7f: {  	_ =	shalt  }
0x80: {  	_ =	shalt  }
0x81: {  	_ =	shalt  }
0x82: {  	_ =	shalt  }
0x83: {  	_ =	shalt  }
0x84: {  	_ =	shalt  }
0x85: {  	_ =	shalt  }
0x86: {  	_ =	shalt  }
0x87: {  	_ =	shalt  }
.Lfunc_end0:
.L_simem_size_0:
called_computation.2_lowered:
.L_overlay_start_0:
0x88: {  	s2 =	sld [smem:$0x3FD9]  }
0x89: {  	s3 =	sld [smem:$0x3FFE];
	_ =	sdelay $0x1  }
0x8a: {  	s1 =	srdreg.scid  }
0x8b: {  	s0 =	sand.u32 $0x1, s1  }
0x8c: {  	s15 =	sshll.u32 s0, $0xA;
	s2 =	sadd.s32 s3, s2  }
0x8d: {  	s2 =	sadd.s32 s2, s15  }
0x8e: {  	[smem:$0x3FBC] =	sst s2  }
0x8f: {  	_ = 	snop  }
0x90: {  	s16 =	sld [smem:$0x3FD0];
	_ =	sdelay $0x2  }
0x91: {  	s4 =	simm.s32 $0xB;
	s5 =	simm.s32 $0x10;
	s2 =	sld [smem:$0x3FC7]  }
0x92: {  	[smem:s5], [sflag:s4] =	dma.local [hbm:s16], $0x1  }
0x93: {  	_ =	swait.eq [sflag:s4], $0x1  }
0x94: {  	[sflag:s4] =	ssyncset.done $0x0  }
0x95: {  	[sflag:s4] =	ssyncadd.s32 $0xFFFFFFFF  }
0x96: {  	s17 =	sld [smem:$0x12];
	(tm) =	ssettm $0x1  }
0x97: {  	s18 =	sld [smem:$0x3FFB];
	_ =	sdelay $0x3  }
0x98: {  	_ =	strace s18  }
0x99: {  	s3 =	sld [smem:$0x3FFC];
	_ =	sdelay $0x3  }
0x9a: {  	_ =	strace s3  }
0x9b: {  	s3 =	sld [smem:$0x3FFD];
	_ =	sdelay $0x3  }
0x9c: {  	_ =	strace s3  }
0x9d: {  	_ =	strace $0x8FFFFFFF  }
0x9e: {  	s19 =	sld [smem:$0x3FDB];
	_ =	sdelay $0x1  }
0x9f: {  	s20 =	simm.s32 $_scs_section_size  }
0xa0: {  	s6 =	simm.s32 $_size__tile_overlayer_lowered;
	s7 =	simm.s32 $_tile_overlayer_lowered  }
0xa1: {  	s8 =	simm.s32 $0x1BFF;
	s21 =	sshll.u32 s7, $0x1;
	s5 =	sadd.s32 s20, s19  }
0xa2: {  	s22 =	simm.s32 $0x0;
	s6 =	sshll.u32 s6, $0x1;
	s7 =	sadd.s32 s21, s5  }
0xa3: {  	[timem:s22], [sflag:s8] =	dma.local [hbm:s7], s6  }
0xa4: {  	_ =	swait.ge [sflag:s8], s6  }
0xa5: {  	s6 =	ssub.s32 $0x0, s6;
	[sflag:s8] =	ssyncset.done $0x0  }
0xa6: {  	[sflag:s8] =	ssyncadd.s32 s6;
	_ =	sdelay $0x1  }
0xa7: {  	s23 =	simm.s32 $0x1B8B  }
0xa8: {  	_ =	swait.ge [sflag:s23], $0x1  }
0xa9: {  	[sflag:s23] =	ssyncset.done $0x0  }
0xaa: {  	[sflag:s23] =	ssyncadd.s32 $0xFFFFFFFF  }
0xab: {  	s6 =	sld [smem:$0x0]  }
0xac: {  	s7 =	sand.u32 $0xFFFFFFFE, s1  }
0xad: {  	p0 =	sne.s32 s1, s7  }
0xae: {  	s7 =	sshll.u32 @p0 s7, $0xE  }
0xaf: {  	s7 =	sadd.s32 @p0 $0x11B8D, s7;
	s8 =	sshll.u32 @p0 s6, $0x11  }
0xb0: {  	s7 =	sor.u32 @p0 s8, s7  }
0xb1: {  	[sflag:s7] =	ssyncadd.remote.s32 @p0 $0x1;
	_ =	sdelay $0x1  }
0xb2: {  	s7 =	simm.s32 @p0 $0x1B8D  }
0xb3: {  	_ =	swait.eq @p0 [sflag:s7], $0x1  }
0xb4: {  	[sflag:s7] =	ssyncadd.s32 @p0 $0xFFFFFFFF  }
0xb5: {  	s8 =	sshll.u32 @!p0 s1, $0xE  }
0xb6: {  	s8 =	sor.u32 @!p0 $0x4000, s8;
	s7 =	simm.s32 @!p0 $0x1B8D  }
0xb7: {  	s6 =	sshll.u32 @!p0 s6, $0x11;
	s8 =	sadd.s32 @!p0 $0x11B8D, s8;
	_ =	swait.eq @!p0 [sflag:s7], $0x1  }
0xb8: {  	s6 =	sor.u32 @!p0 s6, s8;
	[sflag:s7] =	ssyncadd.s32 @!p0 $0xFFFFFFFF  }
0xb9: {  	s25 =	simm.s32 $0x1B8E;
	s24 =	sld [smem:$0x3FFE];
	[sflag:s6] =	ssyncadd.remote.s32 @!p0 $0x1  }
0xba: {  	s26 =	simm.s32 $execute0_lowered;
	[smem:$0x3FD2] =	sst s25  }
0xbb: {  	s7 =	sshll.u32 s26, $0x1;
	_ =	strace $0x80000049;
	[dreg:$0x1] =	wrdreg $0xFFFFFFFF  }
0xbc: {  	s28 =	simm.s32 $_size_execute0_lowered;
	s5 =	sadd.s32 s5, s7;
	[dreg:$0x0] =	wrdreg $0x0  }
0xbd: {  	s7 =	sshll.u32 s28, $0x1;
	[dreg:$0x2] =	wrdreg s5  }
0xbe: {  	[dreg:$0x3] =	wrdreg s7  }
0xbf: {  	[dreg:$0x4] =	wrdreg $0xC0  }
0xc0: {  	_ =	task [dreg:s22], $0x5FFFF  }
0xc1: {  	[dreg:$0x1] =	wrdreg $0xFFFFFFFF  }
0xc2: {  	[dreg:$0x0] =	wrdreg $0x60  }
0xc3: {  	[dreg:$0x2] =	wrdreg s2  }
0xc4: {  	[dreg:$0x3] =	wrdreg s24  }
0xc5: {  	[dreg:$0x4] =	wrdreg s17  }
0xc6: {  	[dreg:$0x5] =	wrdreg $0x9  }
0xc7: {  	_ =	task.clear_ibuf [dreg:s22], $0x6FFFF;
	_ =	strace $0x90000049  }
0xc8: {  	s29 =	simm.s32 $0x9;
	_ =	strace $0x8000004B  }
0xc9: {  	_ =	swait.ge [sflag:s29], $0x1  }
0xca: {  	[sflag:s29] =	ssyncadd.s32 $0xFFFFFFFF  }
0xcb: {  	_ =	strace $0x9000004B  }
0xcc: {  	_ =	sfence  }
0xcd: {  	s30 =	sld [smem:$0x0];
	_ =	sdelay $0x2  }
0xce: {  	s31 =	sshll.u32 s1, $0xD;
	s1 =	sshrl.u32 s1, $0x2  }
0xcf: {  	s4 =	sand.u32 $0x4000, s31;
	s1 =	sadd.s32 s1, s30  }
0xd0: {  	s0 =	sor.u32 s4, s0;
	s1 =	sshll.u32 s1, $0x11  }
0xd1: {  	s0 =	sor.u32 s1, s0  }
0xd2: {  	s0 =	sadd.s32 $0x8F2B, s0  }
0xd3: {  	[sflag:s0] =	ssyncadd.remote.s32 $0x1  }
0xd4: {  	_ =	sfence.sel $0xFFFF  }
0xd5: {  	[dreg:$0x0] =	wrdreg $0xFFFFFFFF;
	(pc) =	sbr.abs _section_cstart, $3  }
0xd6: {  	[dreg:$0x1] =	wrdreg $0xFFFFFFFF  }
0xd7: {  	_ =	task.clear_ibuf [dreg:s22], $0x2FFFF;
	_ =	strace $0x9FFFFFFF  }
0xd8: {  	(tm) =	ssettm $0x7FFFFFFF  }
0xd9: {  	_ =	shalt  }
tec
execute0_lowered:
.L_overlay_start_1:
0x0: {  	(tag) =	ssettag $0x1  }
0x1: {  	s1 =	srdreg.scid;
	s8 =	rddreg [dreg:$0x0]  }
0x2: {  	s0 =	stileid.u32;
	s3 =	rddreg [dreg:$0x1]  }
0x3: {  	s9 =	rddreg [dreg:$0x2];
	s2 =	simm.s32 $0x0;
	s14 =	smul.u32 $0x14, s0  }
0x4: {  	s17 =	simm.s32 $0x3;
	s7 =	sand.u32 $0x1, s1;
	s15 =	smul.u32 $0xA00, s0  }
0x5: {  	s18 =	simm.s32 $0x0;
	s25 =	sshll.u32 s0, $0x1;
	s28 =	smul.u32 $0xA, s7  }
0x6: {  	s1 =	rddreg [dreg:$0x3];
	s11 =	sor.u32 s7, s25;
	s16 =	smul.u32 $0x500, s7  }
0x7: {  	[smem:$0x7FF] =	sst s2;
	s3 =	sadd.s32 $0x2200, s3;
	s5 =	smul.u32 $0xA, s11  }
0x8: {  	s12 =	ssub.s32 $0x2, s7;
	_ =	strace $0x8000004A;
	s6 =	smul.u32 $0x500, s11  }
0x9: {  	s4 =	sor.u32 $0x20, s11;
	s26 =	sshrl.u32 s12, $0x1;
	s29 =	sadd.s32 s14, s8  }
0xa: {  	s30 =	sadd.s32 s15, s9;
	s11 =	sor.u32 $0x60, s11;
	s10 =	smul.u32 $0xA, s4  }
0xb: {  	s14 =	simm.s32 $0x1;
	s15 =	simm.s32 $0x2850;
	s13 =	smul.u32 $0x500, s4  }
0xc: {  	s4 =	ssub.s32 s12, s26;
	s31 =	sadd.s32 s16, s30;
	s12 =	simm.s32 $0x4  }
0xd: {  	s16 =	simm.s32 $0x2;
	s4 =	smax.u32 s4, $0x1;
	s5 =	sadd.s32 s8, s5  }
0xe: {  	s6 =	sadd.s32 s9, s6;
	s7 =	sadd.s32 s8, s10;
	s8 =	sadd.s32 s9, s13  }
0xf: {  	s9 =	sadd.s32 s28, s29;
	s10 =	sadd.s32 $0x1E000, s31;
	s13 =	simm.s32 $0x50  }
.LBB2_1:
0x10: {  	[tilespmem:s2], [sflag:$0x4] =	stream.linear.gather [hbm4b:s5+s2], $0x50, $0x38;
	[tilespmem:$0x5050] =	vst v63  }
0x11: {  	_ =	swait.ge [sflag:s12], $0x50  }
0x12: {  	[sflag:s12] =	ssyncset.done $0x0  }
0x13: {  	[sflag:s12] =	ssyncadd.s32 $0xFFFFFFB0  }
0x14: {  	[tilespmem:s13], [sflag:$0x1] =	stream.indirect.gather [hbm4b:s3+s13], $0x80, s2, s13, $0xb8;
	[tilespmem:$0x5050] =	vst v63  }
0x15: {  	_ =	swait.ge [sflag:s14], $0x2800  }
0x16: {  	[sflag:s14] =	ssyncset.done $0x0  }
0x17: {  	[sflag:s14] =	ssyncadd.s32 $0xFFFFD800  }
0x18: {  	[hbm4b:s6+s2] =	stream.linear.scatter [tilespmem:s13], [sflag:$0x2], $0x2800, $0x38;
	[tilespmem:$0x5050] =	vst v63  }
0x19: {  	_ = 	snop  }
0x1a: {  	[tilespmem:s2], [sflag:$0x4] =	stream.linear.gather [hbm4b:s7+s2], $0x50, $0x38;
	[tilespmem:$0x5050] =	vst v63  }
0x1b: {  	_ =	swait.ge [sflag:s12], $0x50  }
0x1c: {  	[sflag:s12] =	ssyncset.done $0x0  }
0x1d: {  	[sflag:s12] =	ssyncadd.s32 $0xFFFFFFB0  }
0x1e: {  	[tilespmem:s15], [sflag:$0x1] =	stream.indirect.gather [hbm4b:s3+s13], $0x80, s2, s13, $0xb8;
	[tilespmem:$0x5050] =	vst v63  }
0x1f: {  	_ =	swait.ge [sflag:s14], $0x2800  }
0x20: {  	[sflag:s14] =	ssyncset.done $0x0  }
0x21: {  	s19 =	sadd.s32 $0x0, s9;
	[sflag:s14] =	ssyncadd.s32 $0xFFFFD800  }
0x22: {  	[hbm4b:s8+s2] =	stream.linear.scatter [tilespmem:s15], [sflag:$0x3], $0x2800, $0x38;
	[tilespmem:$0x5050] =	vst v63  }
0x23: {  	s19 =	sadd.s32 $0x280, s19  }
0x24: {  	[tilespmem:s2], [sflag:$0x4] =	stream.linear.gather [hbm4b:s19+s2], $0x50, $0x38;
	[tilespmem:$0x5050] =	vst v63  }
0x25: {  	_ =	swait.ge [sflag:s12], $0x50  }
0x26: {  	[sflag:s12] =	ssyncset.done $0x0  }
0x27: {  	[sflag:s12] =	ssyncadd.s32 $0xFFFFFFB0  }
0x28: {  	_ =	swait.ge [sflag:s16], $0x2800  }
0x29: {  	[sflag:s16] =	ssyncset.done $0x0  }
0x2a: {  	[sflag:s16] =	ssyncadd.s32 $0xFFFFD800  }
0x2b: {  	[tilespmem:s13], [sflag:$0x1] =	stream.indirect.gather [hbm4b:s3+s13], $0x80, s2, s13, $0xb8;
	[tilespmem:$0x5050] =	vst v63  }
0x2c: {  	_ =	swait.ge [sflag:s14], $0x2800  }
0x2d: {  	p0 =	sgt.u32 s11, $0x4E1;
	[sflag:s14] =	ssyncset.done $0x0  }
0x2e: {  	s31 =	sadd.s32 $0xFFFF6000, s10;
	s20 =	sadd.s32 @!p0 $0x0, s9;
	[sflag:s14] =	ssyncadd.s32 $0xFFFFD800  }
0x2f: {  	[hbm4b:s31+s2] =	stream.linear.scatter [tilespmem:s13], [sflag:$0x2], $0x2800, $0x38;
	[tilespmem:$0x5050] =	vst v63  }
0x30: {  	s24 =	simm.s32 @!p0 $0x0;
	s19 =	sadd.s32 @!p0 $0x3C0, s20;
	s20 =	simm.s32 @!p0 $0x4  }
0x31: {  	[tilespmem:s24], [sflag:$0x4] =	stream.linear.gather @!p0 [hbm4b:s19+s24], $0x50, $0x38;
	[tilespmem:$0x5050] =	vst v63  }
0x32: {  	_ =	swait.ge @!p0 [sflag:s20], $0x50  }
0x33: {  	[sflag:s20] =	ssyncset.done @!p0 $0x0  }
0x34: {  	s19 =	simm.s32 @!p0 $0x3;
	[sflag:s20] =	ssyncadd.s32 @!p0 $0xFFFFFFB0  }
0x35: {  	_ =	swait.ge @!p0 [sflag:s19], $0x2800  }
0x36: {  	s22 =	simm.s32 $0x500;
	s25 =	simm.s32 @!p0 $0x2850;
	[sflag:s19] =	ssyncset.done @!p0 $0x0  }
0x37: {  	s26 =	simm.s32 @!p0 $0x1;
	s20 =	simm.s32 @!p0 $0x50;
	[sflag:s19] =	ssyncadd.s32 @!p0 $0xFFFFD800  }
0x38: {  	[tilespmem:s25], [sflag:$0x1] =	stream.indirect.gather @!p0 [hbm4b:s3+s20], $0x80, s24, s20, $0xb8;
	[tilespmem:$0x5050] =	vst v63  }
0x39: {  	s21 =	sadd.s32 $0x40, s11;
	s23 =	smov.u32 s10;
	_ =	swait.ge @!p0 [sflag:s26], $0x2800  }
0x3a: {  	s19 =	sadd.s32 $0x14000, s10;
	s20 =	simm.s32 $0x280;
	[sflag:s26] =	ssyncset.done @!p0 $0x0  }
.LBB2_2:
0x3b: {  	s28 =	sadd.s32 s20, s9  }
0x3c: {  	[sflag:s26] =	ssyncadd.s32 @!p0 $0xFFFFD800;
	s26 =	smov.u32 s22;
	s22 =	sadd.s32 $0x280, s22  }
0x3d: {  	[hbm4b:s23+s24] =	stream.linear.scatter @!p0 [tilespmem:s25], [sflag:$0x3], $0x2800, $0x38;
	[tilespmem:$0x5050] =	vst v63  }
0x3e: {  	p1 =	sne.s32 s22, $0x2F80;
	s24 =	sadd.s32 $0x280, s28;
	s23 =	smov.u32 s19  }
0x3f: {  	[tilespmem:s2], [sflag:$0x4] =	stream.linear.gather [hbm4b:s24+s2], $0x50, $0x38;
	[tilespmem:$0x5050] =	vst v63  }
0x40: {  	_ =	swait.ge [sflag:s12], $0x50  }
0x41: {  	[sflag:s12] =	ssyncset.done $0x0  }
0x42: {  	[sflag:s12] =	ssyncadd.s32 $0xFFFFFFB0  }
0x43: {  	_ =	swait.ge [sflag:s16], $0x2800  }
0x44: {  	[sflag:s16] =	ssyncset.done $0x0  }
0x45: {  	[sflag:s16] =	ssyncadd.s32 $0xFFFFD800  }
0x46: {  	[tilespmem:s13], [sflag:$0x1] =	stream.indirect.gather [hbm4b:s3+s13], $0x80, s2, s13, $0xb8;
	[tilespmem:$0x5050] =	vst v63  }
0x47: {  	_ =	swait.ge [sflag:s14], $0x2800  }
0x48: {  	s25 =	sadd.s32 $0xFFFF6000, s19;
	p0 =	sgt.u32 s21, $0x4E1;
	[sflag:s14] =	ssyncset.done $0x0  }
0x49: {  	s20 =	sadd.s32 @!p0 s20, s9;
	s24 =	simm.s32 @!p0 $0x0;
	[sflag:s14] =	ssyncadd.s32 $0xFFFFD800  }
0x4a: {  	[hbm4b:s25+s2] =	stream.linear.scatter [tilespmem:s13], [sflag:$0x2], $0x2800, $0x38;
	[tilespmem:$0x5050] =	vst v63  }
0x4b: {  	s28 =	simm.s32 @!p0 $0x4;
	s25 =	sadd.s32 @!p0 $0x3C0, s20;
	s20 =	smov.u32 s26  }
0x4c: {  	[tilespmem:s24], [sflag:$0x4] =	stream.linear.gather @!p0 [hbm4b:s25+s24], $0x50, $0x38;
	[tilespmem:$0x5050] =	vst v63  }
0x4d: {  	_ =	swait.ge @!p0 [sflag:s28], $0x50  }
0x4e: {  	s26 =	simm.s32 @!p0 $0x3;
	[sflag:s28] =	ssyncset.done @!p0 $0x0  }
0x4f: {  	[sflag:s28] =	ssyncadd.s32 @!p0 $0xFFFFFFB0  }
0x50: {  	s25 =	simm.s32 @!p0 $0x2850;
	_ =	swait.ge @!p0 [sflag:s26], $0x2800  }
.Ltmp0:
0x51: {  	s28 =	simm.s32 @!p0 $0x50;
	[sflag:s26] =	ssyncset.done @!p0 $0x0;
	(pc) =	sbr.rel @p1 .LBB2_2-.Ltmp0, $4  }
0x52: {  	[sflag:s26] =	ssyncadd.s32 @!p0 $0xFFFFD800;
	s26 =	simm.s32 @!p0 $0x1  }
0x53: {  	[tilespmem:s25], [sflag:$0x1] =	stream.indirect.gather @!p0 [hbm4b:s3+s28], $0x80, s24, s28, $0xb8;
	[tilespmem:$0x5050] =	vst v63  }
0x54: {  	_ =	swait.ge @!p0 [sflag:s26], $0x2800  }
0x55: {  	s19 =	sadd.s32 $0x14000, s19;
	s21 =	sadd.s32 $0x40, s21;
	[sflag:s26] =	ssyncset.done @!p0 $0x0  }
0x56: {  	s22 =	sadd.s32 s20, s9;
	[sflag:s26] =	ssyncadd.s32 @!p0 $0xFFFFD800  }
0x57: {  	[hbm4b:s23+s24] =	stream.linear.scatter @!p0 [tilespmem:s25], [sflag:$0x3], $0x2800, $0x38;
	[tilespmem:$0x5050] =	vst v63  }
0x58: {  	s22 =	sadd.s32 $0x280, s22  }
0x59: {  	[tilespmem:s2], [sflag:$0x4] =	stream.linear.gather [hbm4b:s22+s2], $0x50, $0x38;
	[tilespmem:$0x5050] =	vst v63  }
0x5a: {  	_ =	swait.ge [sflag:s12], $0x50  }
0x5b: {  	[sflag:s12] =	ssyncset.done $0x0  }
0x5c: {  	[sflag:s12] =	ssyncadd.s32 $0xFFFFFFB0  }
0x5d: {  	_ =	swait.ge [sflag:s16], $0x2800  }
0x5e: {  	[sflag:s16] =	ssyncset.done $0x0  }
0x5f: {  	[sflag:s16] =	ssyncadd.s32 $0xFFFFD800  }
0x60: {  	[tilespmem:s13], [sflag:$0x1] =	stream.indirect.gather [hbm4b:s3+s13], $0x80, s2, s13, $0xb8;
	[tilespmem:$0x5050] =	vst v63  }
0x61: {  	_ =	swait.ge [sflag:s14], $0x2800  }
0x62: {  	p0 =	sgt.u32 s21, $0x4E1;
	[sflag:s14] =	ssyncset.done $0x0  }
0x63: {  	s31 =	sadd.s32 $0xFFFF6000, s19;
	s20 =	sadd.s32 @!p0 s20, s9;
	[sflag:s14] =	ssyncadd.s32 $0xFFFFD800  }
0x64: {  	[hbm4b:s31+s2] =	stream.linear.scatter [tilespmem:s13], [sflag:$0x2], $0x2800, $0x38;
	[tilespmem:$0x5050] =	vst v63  }
0x65: {  	s21 =	simm.s32 @!p0 $0x0;
	s20 =	sadd.s32 @!p0 $0x3C0, s20;
	s22 =	simm.s32 @!p0 $0x4  }
0x66: {  	[tilespmem:s21], [sflag:$0x4] =	stream.linear.gather @!p0 [hbm4b:s20+s21], $0x50, $0x38;
	[tilespmem:$0x5050] =	vst v63  }
0x67: {  	_ =	swait.ge @!p0 [sflag:s22], $0x50  }
0x68: {  	[sflag:s22] =	ssyncset.done @!p0 $0x0  }
0x69: {  	s20 =	simm.s32 @!p0 $0x3;
	[sflag:s22] =	ssyncadd.s32 @!p0 $0xFFFFFFB0  }
0x6a: {  	_ =	swait.ge @!p0 [sflag:s20], $0x2800  }
0x6b: {  	s23 =	simm.s32 @!p0 $0x50;
	[sflag:s20] =	ssyncset.done @!p0 $0x0  }
0x6c: {  	s22 =	simm.s32 @!p0 $0x2850;
	[sflag:s20] =	ssyncadd.s32 @!p0 $0xFFFFD800;
	s20 =	simm.s32 @!p0 $0x1  }
0x6d: {  	[tilespmem:s22], [sflag:$0x1] =	stream.indirect.gather @!p0 [hbm4b:s3+s23], $0x80, s21, s23, $0xb8;
	[tilespmem:$0x5050] =	vst v63  }
0x6e: {  	_ =	swait.ge @!p0 [sflag:s20], $0x2800  }
0x6f: {  	[sflag:s20] =	ssyncset.done @!p0 $0x0  }
0x70: {  	s18 =	sadd.s32 $0x1, s18;
	[sflag:s20] =	ssyncadd.s32 @!p0 $0xFFFFD800  }
0x71: {  	[hbm4b:s19+s21] =	stream.linear.scatter @!p0 [tilespmem:s22], [sflag:$0x3], $0x2800, $0x38;
	[tilespmem:$0x5050] =	vst v63  }
0x72: {  	p0 =	sne.s32 s18, s4;
	_ =	swait.ge [sflag:s16], $0x2800  }
.Ltmp1:
0x73: {  	[sflag:s16] =	ssyncset.done $0x0;
	(pc) =	sbr.rel @p0 .LBB2_1-.Ltmp1, $4  }
0x74: {  	[sflag:s16] =	ssyncadd.s32 $0xFFFFD800  }
0x75: {  	_ =	swait.ge [sflag:s17], $0x2800  }
0x76: {  	[sflag:s17] =	ssyncset.done $0x0  }
0x77: {  	[sflag:s17] =	ssyncadd.s32 $0xFFFFD800  }
0x78: {  	_ =	sfence.sel $0x180000  }
0x79: {  	[bflag:$0x0] =	sbarrier.arrive $0xFFFF  }
0x7a: {  	p0 =	sne.s32 s0, $0x0;
	_ =	strace $0x9000004A  }
0x7b: {  	s0 =	sadd.s32 @!p0 $0x100000, s1;
	[bflag:$0x2] =	sbarrier.arrive $0xFFFF  }
0x7c: {  	[sflag:s0] =	ssyncadd.tile.s32 @!p0 $0x1;
	_ =	shalt  }
.Lfunc_end2:
_tile_overlayer_lowered:
.L_overlay_start_2:
0x7d: {  	(tag) =	ssettag $0x2  }
0x7e: {  	s0 =	rddreg [dreg:$0x0];
	s2 =	stileid.u32  }
0x7f: {  	s1 =	rddreg [dreg:$0x1];
	p0 =	sne.s32 s2, $0x0  }
0x80: {  	s3 =	rddreg [dreg:$0x2];
	[bflag:$0x3] =	sbarrier.arrive $0xFFFF;
	s2 =	simm.s32 @!p0 $0x1C04  }
0x81: {  	[timem:s3], [sflag:s2] =	dma.local @!p0 [hbm:s0], s1  }
0x82: {  	s0 =	simm.s32 @!p0 $0x4  }
0x83: {  	_ =	swait.ge @!p0 [sflag:s0], s1  }
0x84: {  	s1 =	ssub.s32 @!p0 $0x0, s1;
	[sflag:s0] =	ssyncset.done @!p0 $0x0  }
0x85: {  	[sflag:s0] =	ssyncadd.s32 @!p0 s1  }
0x86: {  	[bflag:$0x3] =	sbarrier.arrive $0xFFFF  }
0x87: {  	_ =	shalt  }

// kernel: sparse-core-data-format-call.cloned.1.call-start
scs
called_computation_lowered:
.L_overlay_start_0:
0x0: {  	s2 =	sld [smem:$0x3FD9]  }
0x1: {  	s3 =	sld [smem:$0x3FFE];
	_ =	sdelay $0x1  }
0x2: {  	s1 =	srdreg.scid  }
0x3: {  	s0 =	sand.u32 $0x1, s1  }
0x4: {  	s16 =	sshll.u32 s0, $0xA;
	s2 =	sadd.s32 s3, s2  }
0x5: {  	s2 =	sadd.s32 s2, s16  }
0x6: {  	[smem:$0x3FBC] =	sst s2  }
0x7: {  	_ = 	snop  }
0x8: {  	s2 =	sld [smem:$0x3FD0];
	_ =	sdelay $0x2  }
0x9: {  	s17 =	simm.s32 $0xB;
	s4 =	simm.s32 $0x10  }
0xa: {  	[smem:s4], [sflag:s17] =	dma.local [hbm:s2], $0x1  }
0xb: {  	_ =	swait.eq [sflag:s17], $0x1  }
0xc: {  	[sflag:s17] =	ssyncset.done $0x0  }
0xd: {  	[sflag:s17] =	ssyncadd.s32 $0xFFFFFFFF  }
0xe: {  	s18 =	sld [smem:$0x13];
	(tm) =	ssettm $0x1  }
0xf: {  	s19 =	sld [smem:$0x3FFB];
	_ =	sdelay $0x3  }
0x10: {  	_ =	strace s19  }
0x11: {  	s2 =	sld [smem:$0x3FFC];
	_ =	sdelay $0x3  }
0x12: {  	_ =	strace s2  }
0x13: {  	s2 =	sld [smem:$0x3FFD];
	_ =	sdelay $0x3  }
0x14: {  	_ =	strace s2  }
0x15: {  	_ =	strace $0x8FFFFFFF  }
0x16: {  	s20 =	sld [smem:$0x3FDB];
	_ =	sdelay $0x1  }
0x17: {  	s21 =	simm.s32 $_scs_section_size  }
0x18: {  	s5 =	simm.s32 $_size__tile_overlayer_lowered;
	s6 =	simm.s32 $_tile_overlayer_lowered  }
0x19: {  	s7 =	simm.s32 $0x1BFF;
	s22 =	sshll.u32 s6, $0x1;
	s4 =	sadd.s32 s21, s20  }
0x1a: {  	s23 =	simm.s32 $0x0;
	s5 =	sshll.u32 s5, $0x1;
	s6 =	sadd.s32 s22, s4  }
0x1b: {  	[timem:s23], [sflag:s7] =	dma.local [hbm:s6], s5  }
0x1c: {  	_ =	swait.ge [sflag:s7], s5  }
0x1d: {  	s5 =	ssub.s32 $0x0, s5;
	[sflag:s7] =	ssyncset.done $0x0  }
0x1e: {  	[sflag:s7] =	ssyncadd.s32 s5;
	_ =	sdelay $0x1  }
0x1f: {  	s24 =	simm.s32 $0x1B8B  }
0x20: {  	_ =	swait.ge [sflag:s24], $0x1  }
0x21: {  	[sflag:s24] =	ssyncset.done $0x0  }
0x22: {  	[sflag:s24] =	ssyncadd.s32 $0xFFFFFFFF  }
0x23: {  	s5 =	sld [smem:$0x0]  }
0x24: {  	s6 =	sand.u32 $0xFFFFFFFE, s1  }
0x25: {  	p0 =	sne.s32 s1, s6  }
0x26: {  	s6 =	sshll.u32 @p0 s6, $0xE  }
0x27: {  	s6 =	sadd.s32 @p0 $0x11B8D, s6;
	s7 =	sshll.u32 @p0 s5, $0x11  }
0x28: {  	s6 =	sor.u32 @p0 s7, s6  }
0x29: {  	[sflag:s6] =	ssyncadd.remote.s32 @p0 $0x1;
	_ =	sdelay $0x1  }
0x2a: {  	s6 =	simm.s32 @p0 $0x1B8D  }
0x2b: {  	_ =	swait.eq @p0 [sflag:s6], $0x1  }
0x2c: {  	[sflag:s6] =	ssyncadd.s32 @p0 $0xFFFFFFFF  }
0x2d: {  	s7 =	sshll.u32 @!p0 s1, $0xE  }
0x2e: {  	s7 =	sor.u32 @!p0 $0x4000, s7;
	s6 =	simm.s32 @!p0 $0x1B8D  }
0x2f: {  	s5 =	sshll.u32 @!p0 s5, $0x11;
	s7 =	sadd.s32 @!p0 $0x11B8D, s7;
	_ =	swait.eq @!p0 [sflag:s6], $0x1  }
0x30: {  	s5 =	sor.u32 @!p0 s5, s7;
	[sflag:s6] =	ssyncadd.s32 @!p0 $0xFFFFFFFF  }
0x31: {  	s26 =	simm.s32 $0x1B8E;
	s25 =	sld [smem:$0x3FFE];
	[sflag:s5] =	ssyncadd.remote.s32 @!p0 $0x1  }
0x32: {  	s27 =	simm.s32 $execute0_lowered;
	[smem:$0x3FD2] =	sst s26  }
0x33: {  	s6 =	sshll.u32 s27, $0x1;
	_ =	strace $0x8000004C;
	[dreg:$0x1] =	wrdreg $0xFFFFFFFF  }
0x34: {  	s28 =	simm.s32 $_size_execute0_lowered;
	s4 =	sadd.s32 s4, s6;
	[dreg:$0x0] =	wrdreg $0x0  }
0x35: {  	s6 =	sshll.u32 s28, $0x1;
	[dreg:$0x2] =	wrdreg s4  }
0x36: {  	[dreg:$0x3] =	wrdreg s6  }
0x37: {  	[dreg:$0x4] =	wrdreg $0xC0  }
0x38: {  	_ =	task [dreg:s23], $0x5FFFF  }
0x39: {  	[dreg:$0x1] =	wrdreg $0xFFFFFFFF  }
0x3a: {  	[dreg:$0x0] =	wrdreg $0x60  }
0x3b: {  	[dreg:$0x2] =	wrdreg s25  }
0x3c: {  	[dreg:$0x3] =	wrdreg s18  }
0x3d: {  	[dreg:$0x4] =	wrdreg $0xA  }
0x3e: {  	_ =	task.clear_ibuf [dreg:s23], $0x5FFFF;
	_ =	strace $0x9000004C  }
0x3f: {  	s29 =	simm.s32 $0xA;
	_ =	strace $0x8000004E  }
0x40: {  	_ =	swait.ge [sflag:s29], $0x1  }
0x41: {  	[sflag:s29] =	ssyncadd.s32 $0xFFFFFFFF  }
0x42: {  	_ =	strace $0x9000004E  }
0x43: {  	_ =	sfence  }
0x44: {  	s30 =	sld [smem:$0x0];
	_ =	sdelay $0x2  }
0x45: {  	s31 =	sshll.u32 s1, $0xD;
	s1 =	sshrl.u32 s1, $0x2  }
0x46: {  	s4 =	sand.u32 $0x4000, s31;
	s1 =	sadd.s32 s1, s30  }
0x47: {  	s0 =	sor.u32 s4, s0;
	s1 =	sshll.u32 s1, $0x11  }
0x48: {  	s0 =	sor.u32 s1, s0  }
0x49: {  	s0 =	sadd.s32 $0x8F2B, s0  }
0x4a: {  	[sflag:s0] =	ssyncadd.remote.s32 $0x1  }
0x4b: {  	_ =	sfence.sel $0xFFFF  }
0x4c: {  	[dreg:$0x0] =	wrdreg $0xFFFFFFFF;
	(pc) =	sbr.abs _section_cstart, $3  }
0x4d: {  	[dreg:$0x1] =	wrdreg $0xFFFFFFFF  }
0x4e: {  	_ =	task.clear_ibuf [dreg:s23], $0x2FFFF;
	_ =	strace $0x9FFFFFFF  }
0x4f: {  	(tm) =	ssettm $0x7FFFFFFF  }
tec
execute0_lowered:
.L_overlay_start_1:
0x0: {  	(tag) =	ssettag $0x1  }
0x1: {  	s0 =	srdreg.scid  }
0x2: {  	s0 =	sshll.u32 s0, $0x4  }
0x3: {  	s2 =	stileid.u32;
	s0 =	sand.u32 $0x10, s0  }
0x4: {  	s0 =	sor.u32 s2, s0  }
0x5: {  	s12 =	sshll.u32 s0, $0x7  }
0x6: {  	s1 =	rddreg [dreg:$0x0];
	s0 =	ssub.s32 $0x30D00, s12  }
0x7: {  	_ =	strace $0x8000004D;
	s29 =	simm.s32 $0x1;
	s0 =	sshrl.u32 s0, $0xC  }
0x8: {  	s30 =	simm.s32 $0x2;
	s14 =	simm.s32 $0x0;
	s0 =	smul.u32 $0x3, s0  }
.Ltmp0:
0x9: {  	s9 =	simm.s32 $0x0;
	s1 =	sadd.s32 $0x2C00, s1;
	(pc) =	sbr.rel .LBB1_1-.Ltmp0, $4  }
0xa: {  	s8 =	simm.s32 $0x0;
	s11 =	simm.s32 $0x0;
	[dreg:$0x4] =	wrdreg s1  }
0xb: {  	s10 =	simm.s32 $0x0;
	[dreg:$0x3] =	wrdreg s12;
	s31 =	sadd.s32 $0x3, s0  }
0xc: {  	[sflag:s29] =	ssyncpa.u1 $0x0;
	s7 =	sadd.s32 $0x4, s0;
	[dreg:$0x5] =	wrdreg s31  }
0xd: {  	s13 =	simm.s32 $0x0;
	[sflag:s30] =	ssyncpa.u1 $0x0;
	[dreg:$0x6] =	wrdreg s7  }
.LBB1_12:
0xe: {  	s8 =	rddreg [dreg:$0x7]  }
0xf: {  	s0 =	sshrl.u32 s8, $0x3  }
0x10: {  	s1 =	sshll.u32 s11, $0x3;
	s0 =	smul.u32 $0x186C00, s0  }
0x11: {  	s1 =	sand.u32 $0xFFFFFC00, s1;
	s2 =	sshll.u32 s8, $0x7  }
0x12: {  	s22 =	sand.u32 $0x380, s2;
	s0 =	sadd.s32 s1, s0  }
0x13: {  	p1 =	sgt.s32 s11, $0x30D00;
	s24 =	rddreg [dreg:$0xb];
	s0 =	sor.u32 s22, s0  }
0x14: {  	s4 =	smov.u32 s11;
	s25 =	rddreg [dreg:$0xa];
	s1 =	sshrl.u32 s0, $0x7  }
0x15: {  	s5 =	sand.u32 $0x7F, s11;
	s30 =	rddreg [dreg:$0x1];
	s1 =	smulhi.u32 $0xA7B7EF, s1  }
0x16: {  	s31 =	simm.s32 $0x186C00;
	s7 =	rddreg [dreg:$0x6];
	p0 =	sgt.s32 s8, $0xB0  }
0x17: {  	s3 =	smov.u32 s8;
	s4 =	simm.s32 @!p1 $0x30D00;
	s1 =	sshrl.u32 s1, $0x2  }
0x18: {  	s3 =	simm.s32 @!p0 $0xB0;
	s4 =	sadd.s32 s25, s4;
	s23 =	smul.u32 $0xD795, s1  }
0x19: {  	s9 =	rddreg [dreg:$0x8];
	s3 =	sadd.s32 s24, s3;
	s6 =	sadd.s32 $0xFFFCF300, s4  }
0x1a: {  	s4 =	ssub.s32 $0x30D80, s4;
	s26 =	sadd.s32 $0xFFFFFF50, s3;
	s2 =	sshrl.u32 s23, $0x18  }
0x1b: {  	p1 =	sgt.s32 s6, $0x7F;
	s3 =	ssub.s32 $0x130, s3;
	s2 =	smul.u32 $0x130, s2  }
0x1c: {  	p0 =	sgt.s32 s26, $0x7F;
	s4 =	simm.s32 @p1 $0x0;
	s27 =	smul.u32 $0x30D80, s1  }
0x1d: {  	s0 =	sor.u32 s5, s0;
	s3 =	simm.s32 @p0 $0x0;
	s1 =	ssub.s32 s1, s2  }
0x1e: {  	s28 =	smul.u32 s4, s3;
	s0 =	ssub.s32 s0, s27;
	s1 =	sand.u32 $0xFFFF, s1  }
0x1f: {  	s29 =	sshrl.u32 s0, $0x3;
	s0 =	sand.u32 $0x7, s0;
	s1 =	smul.u32 $0x61B0, s1  }
0x20: {  	s14 =	rddreg [dreg:$0x9];
	s3 =	sadd.s32 s30, s29;
	s0 =	sshll.u32 s0, $0x12  }
0x21: {  	s2 =	sand.u32 $0x3FFFFFFF, s28;
	s0 =	sor.u32 $0x400, s0;
	s1 =	sadd.s32 s1, s3  }
0x22: {  	[hbm4b:s1+s0] =	stream.strided.scatter [tilespmem:s17], [sflag:$0x2], s2, s31, s0, $0x20;
	[tilespmem:$0x10100] =	vst v63  }
.LBB1_13:
0x23: {  	p0 =	slt.u32 s13, $0x2  }
0x24: {  	s1 =	smov.u32 s14;
	s2 =	smov.u32 s9;
	p1 =	sgt.s32 @!p0 s14, $0xB0  }
0x25: {  	s0 =	sshra.s32 @!p0 s14, $0x1F;
	p2 =	sgt.s32 @!p0 s9, $0x30D00;
	s3 =	sshra.s32 @!p0 s9, $0x1F  }
0x26: {  	p1 =	por !p1, p0;
	s0 =	sand.u32 @!p0 s0, s14;
	p2 =	por !p2, p0  }
0x27: {  	s3 =	sand.u32 @!p0 s3, s9;
	s1 =	simm.s32 @p1 $0xB0;
	s2 =	simm.s32 @p2 $0x30D00  }
0x28: {  	s0 =	ssub.s32 @!p0 s1, s0;
	s1 =	ssub.s32 @!p0 s2, s3  }
0x29: {  	s2 =	sadd.s32 @!p0 $0xFFFFFF50, s0;
	s3 =	sadd.s32 @!p0 $0xFFFCF300, s1  }
0x2a: {  	s0 =	ssub.s32 @!p0 $0x130, s0;
	p1 =	sgt.s32 @!p0 s2, $0x7F;
	p2 =	sgt.s32 @!p0 s3, $0x7F  }
0x2b: {  	s1 =	ssub.s32 @!p0 $0x30D80, s1;
	p1 =	por !p1, p0;
	p2 =	por !p2, p0  }
0x2c: {  	s0 =	simm.s32 @!p1 $0x0;
	s1 =	simm.s32 @!p2 $0x0  }
0x2d: {  	s0 =	smul.u32 @!p0 s1, s0  }
0x2e: {  	s4 =	smov.u32 s12;
	s2 =	simm.s32 @!p0 $0x2;
	s1 =	sadd.s32 $0x80, s10  }
0x2f: {  	s3 =	sadd.s32 $0x1000, s12;
	p1 =	sgt.s32 s1, $0x12B;
	s0 =	sand.u32 @!p0 $0x3FFFFFFF, s0  }
0x30: {  	s4 =	smov.u32 @p1 s3;
	_ =	swait.ge @!p0 [sflag:s2], s0  }
0x31: {  	s1 =	simm.s32 @p1 $0x0;
	p1 =	sgt.s32 s4, $0x30D3F;
	s3 =	rddreg [dreg:$0x3]  }
0x32: {  	s4 =	smov.u32 @p1 s3;
	p1 =	sne.s32 s13, s7  }
.Ltmp1:
0x33: {  	_ = 	snop;
	(pc) =	sbr.rel @!p1 .LBB1_14-.Ltmp1, $4  }
0x34: {  	s14 =	smov.u32 s8  }
0x35: {  	s9 =	smov.u32 s11;
	s8 =	smov.u32 s10;
	s11 =	smov.u32 s12  }
0x36: {  	s0 =	ssub.s32 @!p0 $0x0, s0;
	s10 =	smov.u32 s1;
	[sflag:s2] =	ssyncset.done @!p0 $0x0  }
0x37: {  	s13 =	sadd.s32 $0x1, s13;
	[sflag:s2] =	ssyncadd.s32 @!p0 s0;
	s12 =	smov.u32 s4  }
.LBB1_1:
0x38: {  	s0 =	rddreg [dreg:$0x5]  }
0x39: {  	s3 =	smov.u32 s12;
	p0 =	sge.u32 s13, s0  }
0x3a: {  	s5 =	smov.u32 s10;
	s0 =	sshrl.u32 @!p0 s12, $0x3;
	s1 =	sshll.u32 @!p0 s10, $0x3  }
0x3b: {  	s2 =	sshll.u32 @!p0 s12, $0x7;
	p1 =	sgt.s32 @!p0 s12, $0x30CC0;
	s0 =	smul.u32 @!p0 $0xC00, s0  }
0x3c: {  	s4 =	sshra.s32 @!p0 s12, $0x1F;
	s1 =	sand.u32 @!p0 $0xFFFFFC00, s1;
	p1 =	por !p1, p0  }
0x3d: {  	s3 =	simm.s32 @p1 $0x30CC0;
	s0 =	sadd.s32 @!p0 s0, s1;
	s1 =	sand.u32 @!p0 $0x380, s2  }
0x3e: {  	p1 =	sgt.s32 @!p0 s10, $0x100;
	s2 =	sand.u32 @!p0 $0x7F, s10;
	s0 =	sor.u32 @!p0 s1, s0  }
0x3f: {  	s6 =	sshra.s32 @!p0 s10, $0x1F;
	p1 =	por !p1, p0;
	s1 =	sor.u32 @!p0 s2, s0  }
0x40: {  	s6 =	sand.u32 @!p0 s6, s10;
	s5 =	simm.s32 @p1 $0x100;
	s2 =	smulhi.u32 @!p0 $0xAAAAAAAB, s1  }
0x41: {  	s4 =	sand.u32 @!p0 s4, s12;
	s0 =	smulhi.u32 @!p0 $0xAAAAAAAB, s0;
	s5 =	ssub.s32 @!p0 s5, s6  }
0x42: {  	s3 =	ssub.s32 @!p0 s3, s4;
	s6 =	sadd.s32 @!p0 $0xFFFFFF00, s5;
	s2 =	sshrl.u32 @!p0 s2, $0x8  }
0x43: {  	s0 =	sshrl.u32 @!p0 s0, $0x8;
	p2 =	sgt.s32 @!p0 s6, $0x7F;
	s2 =	smul.u32 @!p0 $0x180, s2  }
0x44: {  	s5 =	ssub.s32 @!p0 $0x180, s5;
	s4 =	smulhi.u32 @!p0 $0x14F8B59, s0;
	p2 =	por !p2, p0  }
0x45: {  	s1 =	ssub.s32 @!p0 s1, s2;
	s2 =	sadd.s32 @!p0 $0xFFFCF340, s3;
	s3 =	ssub.s32 @!p0 $0x30D40, s3  }
0x46: {  	p1 =	sgt.s32 @!p0 s2, $0x7F;
	s2 =	sshrl.u32 @!p0 s4, $0xA;
	s4 =	sxor.u32 @!p0 $0xFFFFFFFF, s13  }
0x47: {  	s2 =	smul.u32 @!p0 $0x30D40, s2;
	p1 =	por !p1, p0;
	s4 =	sshll.u32 @!p0 s4, $0xE  }
0x48: {  	s5 =	simm.s32 @!p2 $0x0;
	s3 =	simm.s32 @!p1 $0x0;
	s4 =	sand.u32 @!p0 $0x4000, s4  }
0x49: {  	s0 =	ssub.s32 @!p0 s0, s2;
	s2 =	smul.u32 @!p0 s3, s5;
	s3 =	sshrl.u32 @!p0 s1, $0x3  }
0x4a: {  	s1 =	sand.u32 @!p0 $0x7, s1;
	s5 =	rddreg [dreg:$0x4];
	s0 =	smul.u32 @!p0 $0x30, s0  }
0x4b: {  	s3 =	sadd.s32 @!p0 s5, s3;
	s1 =	sshll.u32 @!p0 s1, $0x12;
	s2 =	sand.u32 @!p0 $0x3FFFFFFF, s2  }
0x4c: {  	s1 =	sor.u32 @!p0 $0x400, s1;
	s0 =	sadd.s32 @!p0 s0, s3;
	s3 =	simm.s32 @!p0 $0xC00  }
0x4d: {  	[tilespmem:s4], [sflag:$0x1] =	stream.strided.gather @!p0 [hbm4b:s0+s1], s2, s3, s1, $0x38;
	[tilespmem:$0x10100] =	vst v63  }
0x4e: {  	p0 =	seq.s32 s13, $0x0  }
0x4f: {  	p1 =	sge.u32 @!p0 s13, s7  }
0x50: {  	p0 =	por p0, p1  }
.Ltmp2:
0x51: {  	_ = 	snop;
	(pc) =	sbr.rel @p0 .LBB1_13-.Ltmp2, $1  }
0x52: {  	_ =	sdelay $0x3  }
0x53: {  	s0 =	ssub.s32 $0x0, s11;
	s1 =	sshra.s32 s11, $0x1F;
	p0 =	sgt.s32 s11, $0x30CC0  }
0x54: {  	s2 =	smov.u32 s11;
	s25 =	ssub.s32 $0x0, s8;
	s26 =	sshra.s32 s8, $0x1F  }
0x55: {  	s3 =	smov.u32 s8;
	s2 =	simm.s32 @!p0 $0x30CC0;
	p0 =	sgt.s32 s8, $0x100  }
0x56: {  	s4 =	sand.u32 s0, s1;
	s1 =	sand.u32 s25, s26;
	s3 =	simm.s32 @!p0 $0x100  }
0x57: {  	s2 =	sadd.s32 s4, s2;
	[dreg:$0xb] =	wrdreg s1;
	s1 =	sadd.s32 s1, s3  }
0x58: {  	s27 =	sadd.s32 $0xFFFCF340, s2;
	s2 =	ssub.s32 $0x30D40, s2;
	s28 =	sadd.s32 $0xFFFFFF00, s1  }
0x59: {  	p0 =	sgt.s32 s27, $0x7F;
	s0 =	ssub.s32 $0x180, s1;
	p1 =	sgt.s32 s28, $0x7F  }
0x5a: {  	s2 =	simm.s32 @p0 $0x0;
	s0 =	simm.s32 @p1 $0x0  }
0x5b: {  	s29 =	smul.u32 s2, s0;
	s2 =	sadd.s32 $0x80, s11  }
0x5c: {  	p0 =	slt.s32 s2, $0x30D40  }
0x5d: {  	s2 =	simm.s32 @!p0 $0x30D40  }
0x5e: {  	[dreg:$0x9] =	wrdreg s14;
	s19 =	ssub.s32 s2, s11  }
0x5f: {  	[dreg:$0x8] =	wrdreg s9;
	p0 =	slt.s32 s19, $0x1  }
.Ltmp3:
0x60: {  	[dreg:$0x7] =	wrdreg s8;
	s30 =	simm.s32 $0x1;
	(pc) =	sbr.rel @p0 .LBB1_12-.Ltmp3, $4  }
0x61: {  	[dreg:$0xa] =	wrdreg s4;
	s0 =	sand.u32 $0x1, s13;
	s1 =	sand.u32 $0x3FFFFFFF, s29  }
0x62: {  	s31 =	smul.u32 $0x4080, s0;
	_ =	swait.ge [sflag:s30], s1  }
0x63: {  	s1 =	ssub.s32 $0x0, s1;
	[sflag:s30] =	ssyncset.done $0x0  }
0x64: {  	s17 =	sor.u32 $0x8000, s31;
	[sflag:s30] =	ssyncadd.s32 s1  }
0x65: {  	s2 =	rddreg [dreg:$0x7]  }
0x66: {  	s1 =	sadd.s32 $0x80, s2  }
0x67: {  	p0 =	slt.s32 s1, $0x12C  }
.Ltmp4:
0x68: {  	s1 =	simm.s32 @!p0 $0x12C;
	(pc) =	sbr.rel .LBB1_4-.Ltmp4, $4  }
0x69: {  	s22 =	sshll.u32 s0, $0xE;
	s1 =	ssub.s32 s1, s2  }
0x6a: {  	s24 =	simm.s32 $0x0;
	s25 =	simm.s32 $0x400;
	s1 =	sadd.s32 $0xF, s1  }
0x6b: {  	s20 =	sand.u32 $0xFFFFFFF0, s1;
	s21 =	sand.u32 $0xFFFFFF00, s1;
	s31 =	sshll.u32 s1, $0x3  }
0x6c: {  	p0 =	slt.s32 s1, $0x100;
	s23 =	sand.u32 $0xFFFFF800, s31;
	p1 =	sge.s32 s21, s20  }
.LBB1_11:
0x6d: {  	s24 =	sadd.s32 $0x1, s24  }
0x6e: {  	p2 =	sne.s32 s24, s19  }
.Ltmp5:
0x6f: {  	_ = 	snop;
	(pc) =	sbr.rel @!p2 .LBB1_12-.Ltmp5, $2  }
0x70: {  	_ =	sdelay $0x2  }
0x71: {  	s25 =	sadd.s32 $0x80, s25  }
.LBB1_4:
.Ltmp6:
0x72: {  	(pc) =	sbr.rel @p0 .LBB1_8-.Ltmp6, $2  }
0x73: {  	_ =	sdelay $0x2  }
0x74: {  	s26 =	sshll.u32 s24, $0x7;
	s27 =	sand.u32 $0x7F, s24  }
0x75: {  	s0 =	sshll.u32 s24, $0x3  }
0x76: {  	s5 =	sand.u32 $0x380, s26;
	s3 =	sshrl.u32 s0, $0x7;
	s2 =	sadd.s32 $0x800, s0  }
0x77: {  	s6 =	sadd.s32 $0x1000, s0;
	s18 =	sadd.s32 s5, s22;
	s16 =	sadd.s32 $0x1800, s0  }
0x78: {  	s9 =	sadd.s32 $0x2800, s0;
	s1 =	sand.u32 $0x78, s3;
	s2 =	sshrl.u32 s2, $0x7  }
0x79: {  	s15 =	sshrl.u32 s6, $0x7;
	s6 =	sshrl.u32 s16, $0x7;
	s14 =	sshrl.u32 s9, $0x7  }
0x7a: {  	s16 =	sadd.s32 $0x3000, s0;
	s4 =	smul.u32 $0x204, s1;
	s2 =	sand.u32 $0x78, s2  }
0x7b: {  	s0 =	sadd.s32 $0x3800, s0;
	s5 =	sand.u32 $0x78, s15;
	s2 =	smul.u32 $0x204, s2  }
0x7c: {  	v0 =	vmov s18;
	s18 =	sand.u32 $0x3C00, s25;
	s1 =	sxor.u32 $0x40, s1;
	s5 =	smul.u32 $0x204, s5  }
0x7d: {  	s7 =	sand.u32 $0x78, s6;
	s1 =	smul.u32 $0x204, s1;
	s4 =	sshrl.u32 s4, $0x2  }
0x7e: {  	s4 =	sadd.s32 s4, s17;
	s2 =	sshrl.u32 s2, $0x2;
	s8 =	sshrl.u32 s5, $0x2  }
0x7f: {  	s1 =	sshrl.u32 s1, $0x2;
	s2 =	sadd.s32 s2, s17;
	s28 =	sadd.s32 s27, s4  }
0x80: {  	s4 =	sadd.s32 s8, s17;
	s15 =	sadd.s32 s1, s17;
	s8 =	sshrl.u32 s0, $0x7  }
0x81: {  	s29 =	sadd.s32 s27, s2;
	s2 =	smul.u32 $0x204, s7;
	s30 =	sadd.s32 s27, s4  }
0x82: {  	s4 =	sand.u32 $0x78, s14;
	s31 =	sadd.s32 s27, s15;
	s7 =	sshrl.u32 s16, $0x7  }
0x83: {  	s9 =	sand.u32 $0x78, s8;
	s14 =	sadd.s32 $0x10, s3;
	s15 =	sadd.s32 $0x20, s3  }
0x84: {  	s4 =	smul.u32 $0x204, s4;
	s5 =	sand.u32 $0x78, s14;
	s6 =	sand.u32 $0x78, s15  }
0x85: {  	s14 =	sadd.s32 $0x60, s3;
	s2 =	sshrl.u32 s2, $0x2;
	s5 =	smul.u32 $0x204, s5  }
0x86: {  	s6 =	smul.u32 $0x204, s6;
	s14 =	sand.u32 $0x78, s14;
	s2 =	sadd.s32 s2, s17  }
0x87: {  	s4 =	sshrl.u32 s4, $0x2;
	s14 =	smul.u32 $0x204, s14;
	s1 =	sadd.s32 s27, s2  }
0x88: {  	s2 =	sand.u32 $0x78, s7;
	s4 =	sadd.s32 s4, s17;
	s5 =	sshrl.u32 s5, $0x2  }
0x89: {  	s7 =	sadd.s32 $0x30, s3;
	s0 =	sadd.s32 s27, s4;
	s4 =	smul.u32 $0x204, s9  }
0x8a: {  	s16 =	sadd.s32 s5, s17;
	s5 =	sand.u32 $0x78, s7;
	s7 =	sadd.s32 $0x50, s3  }
0x8b: {  	s6 =	sshrl.u32 s6, $0x2;
	s3 =	sadd.s32 $0x70, s3;
	s7 =	sand.u32 $0x78, s7  }
0x8c: {  	v1 =	vld.idx.msk [tilespmem:v0+s18+$0x0 ss:$0x1], $0xffff;
	s3 =	sand.u32 $0x78, s3;
	s4 =	sshrl.u32 s4, $0x2;
	s7 =	smul.u32 $0x204, s7  }
0x8d: {  	s14 =	sshrl.u32 s14, $0x2;
	s3 =	smul.u32 $0x204, s3;
	s4 =	sadd.s32 s4, s17  }
0x8e: {  	s15 =	sadd.s32 s6, s17;
	s14 =	sadd.s32 s14, s17;
	s8 =	sadd.s32 s27, s4  }
0x8f: {  	s4 =	sadd.s32 s27, s15;
	s7 =	sshrl.u32 s7, $0x2;
	s3 =	sshrl.u32 s3, $0x2  }
0x90: {  	s15 =	sadd.s32 $0xFFFFFC00, s25;
	s7 =	sadd.s32 s7, s17;
	s9 =	sadd.s32 s3, s17  }
0x91: {  	[tilespmem:s28+$0x0 ss:$0x81] =	vst.msk $0xffff, v1;
	v1 =	vld.idx.msk [tilespmem:v0+s18+$0x20 ss:$0x1], $0xffff;
	s3 =	sadd.s32 s27, s7;
	s7 =	sadd.s32 s27, s14;
	s14 =	sand.u32 $0x3C00, s15  }
0x92: {  	v2 =	vld.idx.msk [tilespmem:v0+s14+$0x70 ss:$0x1], $0xffff  }
0x93: {  	v3 =	vld.idx.msk [tilespmem:v0+s14+$0x0 ss:$0x1], $0xffff  }
0x94: {  	v4 =	vld.idx.msk [tilespmem:v0+s14+$0x10 ss:$0x1], $0xffff  }
0x95: {  	v5 =	vld.idx.msk [tilespmem:v0+s14+$0x20 ss:$0x1], $0xffff  }
0x96: {  	v6 =	vld.idx.msk [tilespmem:v0+s14+$0x30 ss:$0x1], $0xffff  }
0x97: {  	v7 =	vld.idx.msk [tilespmem:v0+s14+$0x40 ss:$0x1], $0xffff;
	[tilespmem:s8+$0x0 ss:$0x81] =	vst.msk $0xffff, v2  }
0x98: {  	s2 =	smul.u32 $0x204, s2;
	v8 =	vld.idx.msk [tilespmem:v0+s14+$0x50 ss:$0x1], $0xffff;
	[tilespmem:s28+$0x0 ss:$0x81] =	vst.msk $0xffff, v3  }
0x99: {  	p2 =	sgt.s32 s21, $0x100;
	s5 =	smul.u32 $0x204, s5;
	v9 =	vld.idx.msk [tilespmem:v0+s14+$0x60 ss:$0x1], $0xffff;
	[tilespmem:s29+$0x0 ss:$0x81] =	vst.msk $0xffff, v4  }
.Ltmp7:
0x9a: {  	v4 =	vld.idx.msk [tilespmem:v0+s18+$0x10 ss:$0x1], $0xffff;
	[tilespmem:s30+$0x0 ss:$0x81] =	vst.msk $0xffff, v5;
	(pc) =	sbr.rel @!p2 .LBB1_7-.Ltmp7, $4  }
0x9b: {  	s2 =	sshrl.u32 s2, $0x2;
	s5 =	sshrl.u32 s5, $0x2;
	[tilespmem:s1+$0x0 ss:$0x81] =	vst.msk $0xffff, v6;
	v2 =	vld.idx.msk [tilespmem:v0+s18+$0x30 ss:$0x1], $0xffff  }
0x9c: {  	s2 =	sadd.s32 s2, s17;
	s5 =	sadd.s32 s5, s17;
	[tilespmem:s31+$0x0 ss:$0x81] =	vst.msk $0xffff, v7;
	v3 =	vld.idx.msk [tilespmem:v0+s18+$0x40 ss:$0x1], $0xffff  }
0x9d: {  	s6 =	sadd.s32 s27, s16;
	s2 =	sadd.s32 s27, s2;
	s5 =	sadd.s32 s27, s5;
	[tilespmem:s0+$0x0 ss:$0x81] =	vst.msk $0xffff, v8;
	v5 =	vld.idx.msk [tilespmem:v0+s18+$0x50 ss:$0x1], $0xffff  }
0x9e: {  	s16 =	sadd.s32 s27, s9;
	s15 =	sadd.s32 $0x800, s25;
	s14 =	simm.s32 $0x100;
	[tilespmem:s2+$0x0 ss:$0x81] =	vst.msk $0xffff, v9;
	v6 =	vld.idx.msk [tilespmem:v0+s18+$0x60 ss:$0x1], $0xffff  }
.LBB1_6:
0x9f: {  	s9 =	sadd.s32 $0xFFFFFC00, s15;
	s14 =	sadd.s32 $0x100, s14;
	[tilespmem:s6+$0x0 ss:$0x81] =	vst.msk $0xffff, v4;
	v4 =	vld.idx.msk [tilespmem:v0+s18+$0x70 ss:$0x1], $0xffff;
	s18 =	sand.u32 $0x3C00, s15  }
0xa0: {  	s9 =	sand.u32 $0x3C00, s9;
	v7 =	vld.idx.msk [tilespmem:v0+s18+$0x0 ss:$0x1], $0xffff;
	p2 =	slt.s32 s14, s21;
	[tilespmem:s4+$0x0 ss:$0x81] =	vst.msk $0xffff, v1  }
0xa1: {  	v1 =	vld.idx.msk [tilespmem:v0+s9+$0x70 ss:$0x1], $0xffff;
	[tilespmem:s5+$0x0 ss:$0x81] =	vst.msk $0xffff, v2  }
0xa2: {  	v2 =	vld.idx.msk [tilespmem:v0+s9+$0x0 ss:$0x1], $0xffff;
	[tilespmem:s31+$0x0 ss:$0x81] =	vst.msk $0xffff, v3  }
0xa3: {  	v3 =	vld.idx.msk [tilespmem:v0+s9+$0x10 ss:$0x1], $0xffff;
	[tilespmem:s3+$0x0 ss:$0x81] =	vst.msk $0xffff, v5  }
0xa4: {  	v5 =	vld.idx.msk [tilespmem:v0+s9+$0x20 ss:$0x1], $0xffff;
	[tilespmem:s7+$0x0 ss:$0x81] =	vst.msk $0xffff, v6  }
0xa5: {  	v6 =	vld.idx.msk [tilespmem:v0+s9+$0x30 ss:$0x1], $0xffff;
	[tilespmem:s16+$0x0 ss:$0x81] =	vst.msk $0xffff, v4  }
0xa6: {  	v8 =	vld.idx.msk [tilespmem:v0+s9+$0x40 ss:$0x1], $0xffff;
	[tilespmem:s28+$0x0 ss:$0x81] =	vst.msk $0xffff, v7  }
0xa7: {  	v7 =	vld.idx.msk [tilespmem:v0+s9+$0x50 ss:$0x1], $0xffff;
	[tilespmem:s8+$0x0 ss:$0x81] =	vst.msk $0xffff, v1  }
0xa8: {  	[tilespmem:s28+$0x0 ss:$0x81] =	vst.msk $0xffff, v2;
	v9 =	vld.idx.msk [tilespmem:v0+s9+$0x60 ss:$0x1], $0xffff  }
0xa9: {  	[tilespmem:s29+$0x0 ss:$0x81] =	vst.msk $0xffff, v3;
	v4 =	vld.idx.msk [tilespmem:v0+s18+$0x10 ss:$0x1], $0xffff  }
.Ltmp8:
0xaa: {  	[tilespmem:s30+$0x0 ss:$0x81] =	vst.msk $0xffff, v5;
	v1 =	vld.idx.msk [tilespmem:v0+s18+$0x20 ss:$0x1], $0xffff;
	(pc) =	sbr.rel @p2 .LBB1_6-.Ltmp8, $4  }
0xab: {  	[tilespmem:s1+$0x0 ss:$0x81] =	vst.msk $0xffff, v6;
	v2 =	vld.idx.msk [tilespmem:v0+s18+$0x30 ss:$0x1], $0xffff  }
0xac: {  	[tilespmem:s31+$0x0 ss:$0x81] =	vst.msk $0xffff, v8;
	v3 =	vld.idx.msk [tilespmem:v0+s18+$0x40 ss:$0x1], $0xffff  }
0xad: {  	[tilespmem:s0+$0x0 ss:$0x81] =	vst.msk $0xffff, v7;
	v5 =	vld.idx.msk [tilespmem:v0+s18+$0x50 ss:$0x1], $0xffff  }
0xae: {  	s15 =	sadd.s32 $0x800, s15;
	[tilespmem:s2+$0x0 ss:$0x81] =	vst.msk $0xffff, v9;
	v6 =	vld.idx.msk [tilespmem:v0+s18+$0x60 ss:$0x1], $0xffff  }
.LBB1_7:
0xaf: {  	_ =	sdelay $0x2  }
0xb0: {  	[tilespmem:s6+$0x0 ss:$0x81] =	vst.msk $0xffff, v4  }
0xb1: {  	v0 =	vld.idx.msk [tilespmem:v0+s18+$0x70 ss:$0x1], $0xffff;
	[tilespmem:s4+$0x0 ss:$0x81] =	vst.msk $0xffff, v1  }
0xb2: {  	[tilespmem:s5+$0x0 ss:$0x81] =	vst.msk $0xffff, v2  }
0xb3: {  	[tilespmem:s31+$0x0 ss:$0x81] =	vst.msk $0xffff, v3  }
0xb4: {  	[tilespmem:s3+$0x0 ss:$0x81] =	vst.msk $0xffff, v5  }
0xb5: {  	[tilespmem:s7+$0x0 ss:$0x81] =	vst.msk $0xffff, v6  }
0xb6: {  	[tilespmem:s16+$0x0 ss:$0x81] =	vst.msk $0xffff, v0  }
.LBB1_8:
.Ltmp9:
0xb7: {  	(pc) =	sbr.rel @p1 .LBB1_11-.Ltmp9, $1  }
0xb8: {  	_ =	sdelay $0x3  }
0xb9: {  	s1 =	sand.u32 $0x380, s26;
	s0 =	sshrl.u32 s24, $0x4;
	s2 =	sadd.s32 s27, s17  }
0xba: {  	s3 =	smov.u32 s23;
	s4 =	smov.u32 s21;
	s1 =	sadd.s32 s1, s22  }
.LBB1_10:
0xbb: {  	s5 =	sand.u32 $0x3C00, s3  }
0xbc: {  	s5 =	sadd.s32 s26, s5  }
0xbd: {  	s5 =	sand.u32 $0x3C00, s5  }
0xbe: {  	s6 =	sand.u32 $0x70, s4;
	s30 =	sadd.s32 s4, s0;
	s5 =	sadd.s32 s5, s1  }
0xbf: {  	s4 =	sadd.s32 $0x10, s4;
	s31 =	sand.u32 $0x78, s30;
	s5 =	sadd.s32 s6, s5  }
0xc0: {  	p2 =	slt.s32 s4, s20;
	v0 =	vld [tilespmem:s5+$0x0];
	s5 =	smul.u32 $0x204, s31  }
.Ltmp10:
0xc1: {  	_ = 	snop;
	(pc) =	sbr.rel @p2 .LBB1_10-.Ltmp10, $4  }
0xc2: {  	_ = 	snop  }
0xc3: {  	s5 =	sshrl.u32 s5, $0x2  }
0xc4: {  	s5 =	sadd.s32 s5, s2  }
0xc5: {  	s3 =	sadd.s32 $0x80, s3;
	[tilespmem:s5+$0x0 ss:$0x81] =	vst.msk $0xffff, v0  }
.Ltmp11:
0xc6: {  	_ = 	snop;
	(pc) =	sbr.rel .LBB1_11-.Ltmp11, $1  }
0xc7: {  	_ =	sdelay $0x3  }
.LBB1_14:
0xc8: {  	_ =	sfence.sel $0x180000  }
0xc9: {  	s0 =	simm.s32 $0x1;
	[bflag:$0x0] =	sbarrier.arrive $0xFFFF  }
0xca: {  	s30 =	simm.s32 $0x2;
	[sflag:s0] =	ssyncpa.u1 $0x1  }
0xcb: {  	[sflag:s30] =	ssyncpa.u1 $0x1  }
0xcc: {  	_ =	strace $0x9000004D  }
0xcd: {  	s31 =	stileid.u32;
	[bflag:$0x2] =	sbarrier.arrive $0xFFFF  }
0xce: {  	p0 =	sne.s32 s31, $0x0;
	s0 =	rddreg [dreg:$0x2]  }
0xcf: {  	s0 =	sadd.s32 @!p0 $0x100000, s0  }
0xd0: {  	[sflag:s0] =	ssyncadd.tile.s32 @!p0 $0x1;
	_ =	shalt  }
.Lfunc_end1:
_tile_overlayer_lowered:
.L_overlay_start_2:
0xd1: {  	(tag) =	ssettag $0x2  }
0xd2: {  	s0 =	rddreg [dreg:$0x0];
	s2 =	stileid.u32  }
0xd3: {  	s1 =	rddreg [dreg:$0x1];
	p0 =	sne.s32 s2, $0x0  }
0xd4: {  	s3 =	rddreg [dreg:$0x2];
	[bflag:$0x3] =	sbarrier.arrive $0xFFFF;
	s2 =	simm.s32 @!p0 $0x1C01  }
0xd5: {  	[timem:s3], [sflag:s2] =	dma.local @!p0 [hbm:s0], s1  }
0xd6: {  	s0 =	simm.s32 @!p0 $0x1  }
0xd7: {  	_ =	swait.ge @!p0 [sflag:s0], s1  }
0xd8: {  	s1 =	ssub.s32 @!p0 $0x0, s1;
	[sflag:s0] =	ssyncset.done @!p0 $0x0  }
0xd9: {  	[sflag:s0] =	ssyncadd.s32 @!p0 s1  }
0xda: {  	[bflag:$0x3] =	sbarrier.arrive $0xFFFF  }
0xdb: {  	_ =	shalt  }

</sc_bundles>
